<compile_context>
chip_gen: v7x
topology: tpu7x:2x2x1
jax: 0.10.2.dev20260603
libtpu: 0.0.44.dev20260713+nightly
codegen_flags: <defaults>
</compile_context>

<pallas_src>
import functools

import jax
import jax.numpy as jnp
from jax import lax
from jax.experimental import pallas as pl
from jax.experimental.pallas import tpu as pltpu
from jax.experimental.pallas import tpu_sc as plsc

NC = 2
NS = 16
NW = NC * NS
K = 128


def _cdiv(a, b):
    return (a + b - 1) // b


def _round_up(a, b):
    return _cdiv(a, b) * b


def _make_deg_kernel(Npad, n_chunks, rpt, nb=4):
    per_w = _round_up(_cdiv(n_chunks, NW), nb)
    mesh = plsc.VectorSubcoreMesh(core_axis_name="c", subcore_axis_name="s")

    @functools.partial(
        pl.kernel,
        out_type=jax.ShapeDtypeStruct((NC * Npad,), jnp.float32),
        mesh=mesh,
        scratch_types=[
            pltpu.VMEM((per_w, K), jnp.int32),
            pltpu.VMEM((K,), jnp.float32),
            pltpu.VMEM((rpt,), jnp.float32),
            pltpu.VMEM_SHARED((Npad,), jnp.float32),
        ] + [pltpu.SemaphoreType.DMA for _ in range(nb)],
    )
    def deg_kernel(dst_hbm, ones_hbm, zeros_hbm, out_hbm, dst_vb, ones_v, row_v,
                   acc_sh, *sems):
        c = lax.axis_index("c")
        s = lax.axis_index("s")
        wid = s * NC + c
        row0 = s * rpt
        chunk0 = wid * per_w
        chunk_end = jnp.minimum(chunk0 + per_w, n_chunks)
        pltpu.sync_copy(zeros_hbm, row_v)
        pltpu.sync_copy(row_v, acc_sh.at[pl.ds(row0, rpt)])
        pltpu.sync_copy(ones_hbm, ones_v)
        plsc.subcore_barrier()

        pltpu.sync_copy(dst_hbm.at[pl.ds(chunk0, per_w)], dst_vb)

        def scat(b, q):
            return pltpu.make_async_copy(ones_v, acc_sh.at[dst_vb.at[q]],
                                         sems[b])

        for b in range(nb):
            @pl.when(chunk0 + b < chunk_end)
            def _(b=b):
                scat(b, b).start(add=True)

        def body(r, carry):
            for b in range(nb):
                q = r * nb + b
                qn = q + nb

                @pl.when(chunk0 + q < chunk_end)
                def _(b=b, q=q):
                    scat(b, q).wait()

                @pl.when((qn < per_w) & (chunk0 + qn < chunk_end))
                def _(b=b, qn=qn):
                    scat(b, qn).start(add=True)

            return carry

        lax.fori_loop(0, per_w // nb, body, None)
        plsc.subcore_barrier()
        pltpu.sync_copy(acc_sh.at[pl.ds(row0, rpt)], row_v)
        pltpu.sync_copy(row_v, out_hbm.at[pl.ds(c * Npad + row0, rpt)])

    return deg_kernel


def _make_agg_kernel(Npad, D, n_chunks, rpt, nb=3):
    per_w = _round_up(_cdiv(n_chunks, NW), nb)
    mesh = plsc.VectorSubcoreMesh(core_axis_name="c", subcore_axis_name="s")

    scratch = (
        [pltpu.VMEM((2 * K,), jnp.int32) for _ in range(nb)]
        + [pltpu.VMEM((K, D), jnp.float32) for _ in range(nb)]
        + [pltpu.VMEM_SHARED((Npad, D), jnp.float32)]
        + [pltpu.SemaphoreType.DMA for _ in range(3 * nb + 1)]
    )

    @functools.partial(
        pl.kernel,
        out_type=jax.ShapeDtypeStruct((NC, Npad, D), jnp.float32),
        mesh=mesh,
        scratch_types=scratch,
    )
    def agg_kernel(h_hbm, sd_hbm, zeros_hbm, out_hbm, *rest):
        idxb = rest[:nb]
        rows = rest[nb:2 * nb]
        acc_sh = rest[2 * nb]
        sem_i = rest[2 * nb + 1:2 * nb + 1 + nb]
        sem_g = rest[2 * nb + 1 + nb:2 * nb + 1 + 2 * nb]
        sem_s = rest[2 * nb + 1 + 2 * nb:2 * nb + 1 + 3 * nb]
        sem_z = rest[2 * nb + 1 + 3 * nb]
        c = lax.axis_index("c")
        s = lax.axis_index("s")
        wid = s * NC + c
        row0 = s * rpt
        chunk0 = wid * per_w
        chunk_end = jnp.minimum(chunk0 + per_w, n_chunks)

        def idx_fetch(b, q):
            return pltpu.make_async_copy(sd_hbm.at[chunk0 + q], idxb[b],
                                         sem_i[b])

        def gather(b):
            return pltpu.make_async_copy(
                h_hbm.at[idxb[b].at[pl.ds(0, K)]], rows[b], sem_g[b])

        def scatter(b):
            return pltpu.make_async_copy(
                rows[b], acc_sh.at[idxb[b].at[pl.ds(K, K)]], sem_s[b])

        zc = pltpu.make_async_copy(zeros_hbm, acc_sh.at[pl.ds(row0, rpt)],
                                   sem_z)
        zc.start()

        @pl.when(chunk0 < chunk_end)
        def _():
            idx_fetch(0, 0).start()

        zc.wait()
        plsc.subcore_barrier()

        def body(r, carry):
            for b in range(nb):
                q = r * nb + b
                b_m1 = (b + nb - 1) % nb
                b_m2 = (b + nb - 2) % nb
                b_p1 = (b + 1) % nb

                @pl.when(chunk0 + q < chunk_end)
                def _(b=b, q=q):
                    idx_fetch(b, q).wait()
                    gather(b).start()

                @pl.when((q >= 1) & (chunk0 + q - 1 < chunk_end))
                def _(b_m1=b_m1, q=q):
                    gather(b_m1).wait()
                    scatter(b_m1).start(add=True)

                @pl.when((q >= 2) & (chunk0 + q - 2 < chunk_end))
                def _(b_m2=b_m2, q=q):
                    scatter(b_m2).wait()

                @pl.when((q + 1 < per_w) & (chunk0 + q + 1 < chunk_end))
                def _(b_p1=b_p1, q=q):
                    idx_fetch(b_p1, q + 1).start()

            return carry

        lax.fori_loop(0, per_w // nb, body, None)

        qL = per_w - 1
        bL = qL % nb

        @pl.when(chunk0 + qL < chunk_end)
        def _():
            gather(bL).wait()
            scatter(bL).start(add=True)

        @pl.when((qL >= 1) & (chunk0 + qL - 1 < chunk_end))
        def _():
            scatter((qL - 1) % nb).wait()

        @pl.when(chunk0 + qL < chunk_end)
        def _():
            scatter(bL).wait()

        plsc.subcore_barrier()
        pltpu.sync_copy(acc_sh.at[pl.ds(row0, rpt)], out_hbm.at[c, pl.ds(row0, rpt)])

    return agg_kernel


def _tc_scale_matmul(degp0, degp1, xp, W1):
    Npad, DIN = xp.shape
    DH = W1.shape[1]

    def body(d0_ref, d1_ref, x_ref, w_ref, dinv_ref, ys_ref):
        deg = d0_ref[...] + d1_ref[...] + 1.0
        dinv = lax.rsqrt(deg)
        dinv_ref[...] = dinv
        ys_ref[...] = jnp.dot(x_ref[...] * dinv, w_ref[...],
                              preferred_element_type=jnp.float32)

    return pl.pallas_call(
        body,
        out_shape=[
            jax.ShapeDtypeStruct((Npad, 1), jnp.float32),
            jax.ShapeDtypeStruct((Npad, DH), jnp.float32),
        ],
    )(degp0, degp1, xp, W1)


def _tc_relu(p0, p1, ys, dinv, b1):
    Npad, DH = ys.shape

    def body(p0_ref, p1_ref, y_ref, dinv_ref, b_ref, out_ref):
        dinv = dinv_ref[...]
        t = p0_ref[...] + p1_ref[...] + y_ref[...]
        z = jnp.maximum(dinv * t + b_ref[...], 0.0)
        out_ref[...] = z * dinv

    return pl.pallas_call(
        body,
        out_shape=jax.ShapeDtypeStruct((Npad, DH), jnp.float32),
    )(p0, p1, ys, dinv, b1)


def _tc_logsoftmax(p0, p1, zs, dinv, W2p, b2, dout):
    Npad, DH = zs.shape
    Dp2 = W2p.shape[1]

    def body(p0_ref, p1_ref, z_ref, dinv_ref, w_ref, b_ref, out_ref):
        agg = dinv_ref[...] * (p0_ref[...] + p1_ref[...] + z_ref[...])
        t = jnp.dot(agg, w_ref[...], preferred_element_type=jnp.float32)
        t = t + b_ref[...]
        col = lax.broadcasted_iota(jnp.int32, t.shape, 1)
        valid = col < dout
        t = jnp.where(valid, t, jnp.float32(-1e30))
        m = jnp.max(t, axis=1, keepdims=True)
        e = jnp.where(valid, jnp.exp(t - m), 0.0)
        lse = jnp.log(jnp.sum(e, axis=1, keepdims=True))
        out_ref[...] = t - m - lse

    return pl.pallas_call(
        body,
        out_shape=jax.ShapeDtypeStruct((Npad, Dp2), jnp.float32),
    )(p0, p1, zs, dinv, W2p, b2)


def kernel(x, edge_index, W1, b1, W2, b2):
    N, DIN = x.shape
    DH = W1.shape[1]
    DOUT = W2.shape[1]
    E = edge_index.shape[1]

    Npad = _cdiv(N, 128) * 128
    rpt = Npad // NS
    n_chunks = _cdiv(E, K)
    Ep = n_chunks * K
    Dp2 = _cdiv(DOUT, 16) * 16
    nb = 3

    src = edge_index[0].astype(jnp.int32)
    dst = edge_index[1].astype(jnp.int32)
    if Ep != E:
        pad = N + (jnp.arange(Ep - E, dtype=jnp.int32) % (Npad - N))
        src = jnp.concatenate([src, pad])
        dst = jnp.concatenate([dst, pad])
    src2 = src.reshape(n_chunks, K)
    dst2 = dst.reshape(n_chunks, K)
    per_w = max(_round_up(_cdiv(n_chunks, NW), 4),
                _round_up(_cdiv(n_chunks, NW), nb))
    n_chunks_pad = NW * per_w
    if n_chunks_pad != n_chunks:
        src2 = jnp.pad(src2, ((0, n_chunks_pad - n_chunks), (0, 0)))
        dst2 = jnp.pad(dst2, ((0, n_chunks_pad - n_chunks), (0, 0)))
    sd2 = jnp.concatenate([src2, dst2], axis=1)

    xp = jnp.pad(x, ((0, Npad - N), (0, 0)))
    W2p = jnp.pad(W2, ((0, 0), (0, Dp2 - DOUT)))
    b1r = b1.reshape(1, DH)
    b2r = jnp.pad(b2, (0, Dp2 - DOUT)).reshape(1, Dp2)
    ones_k = jnp.ones((K,), jnp.float32)
    zeros_deg = jnp.zeros((rpt,), jnp.float32)
    zeros_h = jnp.zeros((rpt, DH), jnp.float32)

    degp = _make_deg_kernel(Npad, n_chunks, rpt)(dst2, ones_k, zeros_deg)
    degp0 = degp[:Npad].reshape(Npad, 1)
    degp1 = degp[Npad:].reshape(Npad, 1)

    dinv, ys = _tc_scale_matmul(degp0, degp1, xp, W1)

    agg_fn = _make_agg_kernel(Npad, DH, n_chunks, rpt, nb=nb)
    aggp = agg_fn(ys, sd2, zeros_h)
    zs = _tc_relu(aggp[0], aggp[1], ys, dinv, b1r)

    agg2 = agg_fn(zs, sd2, zeros_h)
    out = _tc_logsoftmax(agg2[0], agg2[1], zs, dinv, W2p, b2r, DOUT)

    return out[:N, :DOUT]

# --- scband reference (transcript-rebuilt; emitter-appended) ---
"""Pipeline reference for scband-gcn-89472758710435 (READ-ONLY COPY).

The authoritative reference and input builder live on the scoring server;
editing this copy changes nothing except your own understanding.
"""

import jax, jax.numpy as jnp
import numpy as np

N = 10000
E = 320000
DIN = 128
DH = 128
DOUT = 40


def setup_inputs(seed: int = 0) -> dict:
    key = jax.random.key(seed)
    k1, k2, k3, k4, k5 = jax.random.split(key, 5)
    x = jax.random.normal(k1, (N, DIN), dtype=jnp.float32)
    edge_index = jax.random.randint(k2, (2, E), 0, N, dtype=jnp.int64)
    s1 = float(np.sqrt(6.0 / (DIN + DH)))
    W1 = jax.random.uniform(k3, (DIN, DH), dtype=jnp.float32, minval=-s1, maxval=s1)
    b1 = jnp.zeros((DH,), dtype=jnp.float32)
    s2 = float(np.sqrt(6.0 / (DH + DOUT)))
    W2 = jax.random.uniform(k4, (DH, DOUT), dtype=jnp.float32, minval=-s2, maxval=s2)
    b2 = jnp.zeros((DOUT,), dtype=jnp.float32)
    return {"x": x, "edge_index": edge_index, "W1": W1, "b1": b1, "W2": W2, "b2": b2}


def _gcn_conv(x, src, dst, W, b, n_nodes):
    # x' = D^{-1/2} (A + I) D^{-1/2} X W + b   (self-loops already in src/dst)
    h = x @ W
    deg = jnp.zeros((n_nodes,), dtype=h.dtype).at[dst].add(1.0)
    dinv = jnp.where(deg > 0, jax.lax.rsqrt(deg), 0.0)
    norm = dinv[src] * dinv[dst]
    msgs = h[src] * norm[:, None]
    out = jnp.zeros((n_nodes, h.shape[1]), dtype=h.dtype).at[dst].add(msgs)
    return out + b


def reference(x, edge_index, W1, b1, W2, b2):
    n_nodes = x.shape[0]
    loop = jnp.arange(n_nodes, dtype=edge_index.dtype)
    src = jnp.concatenate([edge_index[0], loop])
    dst = jnp.concatenate([edge_index[1], loop])
    h = _gcn_conv(x, src, dst, W1, b1, n_nodes)
    h = jax.nn.relu(h)
    h = _gcn_conv(h, src, dst, W2, b2, n_nodes)
    return jax.nn.log_softmax(h, axis=-1)

if __name__ == "__main__":
    import jax
    _d = setup_inputs()
    print(jax.jit(kernel)(*tuple(_d.values())))

</pallas_src>

<mosaic_0001>
#map = affine_map<(d0, d1) -> (0, 0)>
#map1 = affine_map<(d0, d1) -> (0)>
module attributes {stable_mosaic.version = 14 : i64} {
  func.func @deg_kernel(%arg0: i32, %arg1: i32, %arg2: memref<2592x128xi32, #tpu.memory_space<hbm>>, %arg3: memref<128xf32, #tpu.memory_space<hbm>>, %arg4: memref<632xf32, #tpu.memory_space<hbm>>, %arg5: memref<20224xf32, #tpu.memory_space<hbm>>, %arg6: memref<80x128xi32, #tpu.memory_space<vmem>>, %arg7: memref<128xf32, #tpu.memory_space<vmem>>, %arg8: memref<632xf32, #tpu.memory_space<vmem>>, %arg9: memref<10112xf32, #tpu.memory_space<vmem_shared>>, %arg10: memref<!tpu.dma_semaphore, #tpu.memory_space<semaphore_mem>>, %arg11: memref<!tpu.dma_semaphore, #tpu.memory_space<semaphore_mem>>, %arg12: memref<!tpu.dma_semaphore, #tpu.memory_space<semaphore_mem>>, %arg13: memref<!tpu.dma_semaphore, #tpu.memory_space<semaphore_mem>>) attributes {dimension_semantics = [#tpu.dimension_semantics<core_parallel>, #tpu.dimension_semantics<subcore_parallel>], iteration_bounds = array<i64: 2, 16>, scalar_prefetch = 0 : i64, scratch_operands = 8 : i64, tpu.core_type = #tpu.core_type<sc_vector_subcore>, window_params = [{transform_indices = #map}, {transform_indices = #map1}, {transform_indices = #map1}, {transform_indices = #map1}]} {
    %mul3A = arith.constant 2 : i32
    %mul3A_0 = arith.muli %arg1, %mul3A : i32
    %add3A = arith.addi %mul3A_0, %arg0 : i32
    %mul3A_1 = arith.constant 632 : i32
    %mul3A_2 = arith.muli %arg1, %mul3A_1 : i32
    %mul3A_3 = arith.constant 80 : i32
    %mul3A_4 = arith.muli %add3A, %mul3A_3 : i32
    %add3A_5 = arith.constant 80 : i32
    %add3A_6 = arith.addi %mul3A_4, %add3A_5 : i32
    %min3A = arith.constant 2500 : i32
    %min3A_7 = arith.minsi %add3A_6, %min3A : i32
    "tpu.region"() ({
      %run_scoped3A = tpu.sem_alloc : memref<!tpu.dma_semaphore, #tpu.memory_space<semaphore_mem>>
      tpu.enqueue_dma source(%arg4 : memref<632xf32, #tpu.memory_space<hbm>>) target(%arg8 : memref<632xf32, #tpu.memory_space<vmem>>) target_semaphore(%run_scoped3A : memref<!tpu.dma_semaphore, #tpu.memory_space<semaphore_mem>>)
      tpu.wait_dma2 semaphore(%run_scoped3A : memref<!tpu.dma_semaphore, #tpu.memory_space<semaphore_mem>>) src(%arg4 : memref<632xf32, #tpu.memory_space<hbm>>) dst(%arg8 : memref<632xf32, #tpu.memory_space<vmem>>)
      tpu.yield
    }) : () -> ()
    "tpu.region"() ({
      %run_scoped3A = tpu.sem_alloc : memref<!tpu.dma_semaphore, #tpu.memory_space<semaphore_mem>>
      %dma_start3A = tpu.memref_slice %arg9[%mul3A_2] : memref<10112xf32, #tpu.memory_space<vmem_shared>> -> memref<632xf32, #tpu.memory_space<vmem_shared>>
      %dma_start3A_37 = tpu.memref_slice %arg9[%mul3A_2] : memref<10112xf32, #tpu.memory_space<vmem_shared>> -> memref<632xf32, #tpu.memory_space<vmem_shared>>
      tpu.enqueue_dma source(%arg8 : memref<632xf32, #tpu.memory_space<vmem>>) target(%dma_start3A_37 : memref<632xf32, #tpu.memory_space<vmem_shared>>) target_semaphore(%run_scoped3A : memref<!tpu.dma_semaphore, #tpu.memory_space<semaphore_mem>>)
      %dma_wait3A = tpu.memref_slice %arg9[%mul3A_2] : memref<10112xf32, #tpu.memory_space<vmem_shared>> -> memref<632xf32, #tpu.memory_space<vmem_shared>>
      %dma_wait3A_38 = tpu.memref_slice %arg9[%mul3A_2] : memref<10112xf32, #tpu.memory_space<vmem_shared>> -> memref<632xf32, #tpu.memory_space<vmem_shared>>
      tpu.wait_dma2 semaphore(%run_scoped3A : memref<!tpu.dma_semaphore, #tpu.memory_space<semaphore_mem>>) src(%arg8 : memref<632xf32, #tpu.memory_space<vmem>>) dst(%dma_wait3A_38 : memref<632xf32, #tpu.memory_space<vmem_shared>>)
      tpu.yield
    }) : () -> ()
    "tpu.region"() ({
      %run_scoped3A = tpu.sem_alloc : memref<!tpu.dma_semaphore, #tpu.memory_space<semaphore_mem>>
      tpu.enqueue_dma source(%arg3 : memref<128xf32, #tpu.memory_space<hbm>>) target(%arg7 : memref<128xf32, #tpu.memory_space<vmem>>) target_semaphore(%run_scoped3A : memref<!tpu.dma_semaphore, #tpu.memory_space<semaphore_mem>>)
      tpu.wait_dma2 semaphore(%run_scoped3A : memref<!tpu.dma_semaphore, #tpu.memory_space<semaphore_mem>>) src(%arg3 : memref<128xf32, #tpu.memory_space<hbm>>) dst(%arg7 : memref<128xf32, #tpu.memory_space<vmem>>)
      tpu.yield
    }) : () -> ()
    %barrier3A = arith.constant 0 : index
    tpu.barrier barrier_id(%barrier3A)
    "tpu.region"() ({
      %run_scoped3A = tpu.sem_alloc : memref<!tpu.dma_semaphore, #tpu.memory_space<semaphore_mem>>
      %dma_start3A = arith.constant 0 : i32
      %dma_start3A_37 = tpu.memref_slice %arg2[%mul3A_4, %dma_start3A] : memref<2592x128xi32, #tpu.memory_space<hbm>> -> memref<80x128xi32, #tpu.memory_space<hbm>>
      %dma_start3A_38 = arith.constant 0 : i32
      %dma_start3A_39 = tpu.memref_slice %arg2[%mul3A_4, %dma_start3A_38] : memref<2592x128xi32, #tpu.memory_space<hbm>> -> memref<80x128xi32, #tpu.memory_space<hbm>>
      tpu.enqueue_dma source(%dma_start3A_39 : memref<80x128xi32, #tpu.memory_space<hbm>>) target(%arg6 : memref<80x128xi32, #tpu.memory_space<vmem>>) target_semaphore(%run_scoped3A : memref<!tpu.dma_semaphore, #tpu.memory_space<semaphore_mem>>)
      %dma_wait3A = arith.constant 0 : i32
      %dma_wait3A_40 = tpu.memref_slice %arg2[%mul3A_4, %dma_wait3A] : memref<2592x128xi32, #tpu.memory_space<hbm>> -> memref<80x128xi32, #tpu.memory_space<hbm>>
      %dma_wait3A_41 = arith.constant 0 : i32
      %dma_wait3A_42 = tpu.memref_slice %arg2[%mul3A_4, %dma_wait3A_41] : memref<2592x128xi32, #tpu.memory_space<hbm>> -> memref<80x128xi32, #tpu.memory_space<hbm>>
      tpu.wait_dma2 semaphore(%run_scoped3A : memref<!tpu.dma_semaphore, #tpu.memory_space<semaphore_mem>>) src(%dma_wait3A_42 : memref<80x128xi32, #tpu.memory_space<hbm>>) dst(%arg6 : memref<80x128xi32, #tpu.memory_space<vmem>>)
      tpu.yield
    }) : () -> ()
    %add3A_8 = arith.constant 0 : i32
    %add3A_9 = arith.addi %mul3A_4, %add3A_8 : i32
    %lt3A = arith.cmpi slt, %add3A_9, %min3A_7 : i32
    %convert_element_type3A = arith.extui %lt3A : i1 to i32
    %cond3A = arith.constant 0 : i32
    %cond3A_10 = arith.cmpi ne, %convert_element_type3A, %cond3A : i32
    scf.if %cond3A_10 {
      %dma_start3A = arith.constant 0 : i32
      %dma_start3A_37 = arith.constant 0 : i32
      %dma_start3A_38 = tpu.memref_slice %arg6[%dma_start3A, %dma_start3A_37] : memref<80x128xi32, #tpu.memory_space<vmem>> -> memref<1x128xi32, #tpu.memory_space<vmem>>
      %dma_start3A_39 = tpu.memref_squeeze %dma_start3A_38 : memref<1x128xi32, #tpu.memory_space<vmem>> -> memref<128xi32, #tpu.memory_space<vmem>>
      %dma_start3A_40 = arith.constant 0 : i32
      %dma_start3A_41 = tpu.memref_slice %arg9[%dma_start3A_40] : memref<10112xf32, #tpu.memory_space<vmem_shared>> -> memref<10112xf32, #tpu.memory_space<vmem_shared>>
      tpu.enqueue_indirect_dma source(%arg7 : memref<128xf32, #tpu.memory_space<vmem>>) target(%dma_start3A_41 : memref<10112xf32, #tpu.memory_space<vmem_shared>>) offsets(%dma_start3A_39 : memref<128xi32, #tpu.memory_space<vmem>>) semaphore(%arg10 : memref<!tpu.dma_semaphore, #tpu.memory_space<semaphore_mem>>) {add = true}
    } else {
    }
    %add3A_11 = arith.constant 1 : i32
    %add3A_12 = arith.addi %mul3A_4, %add3A_11 : i32
    %lt3A_13 = arith.cmpi slt, %add3A_12, %min3A_7 : i32
    %convert_element_type3A_14 = arith.extui %lt3A_13 : i1 to i32
    %cond3A_15 = arith.constant 0 : i32
    %cond3A_16 = arith.cmpi ne, %convert_element_type3A_14, %cond3A_15 : i32
    scf.if %cond3A_16 {
      %dma_start3A = arith.constant 1 : i32
      %dma_start3A_37 = arith.constant 0 : i32
      %dma_start3A_38 = tpu.memref_slice %arg6[%dma_start3A, %dma_start3A_37] : memref<80x128xi32, #tpu.memory_space<vmem>> -> memref<1x128xi32, #tpu.memory_space<vmem>>
      %dma_start3A_39 = tpu.memref_squeeze %dma_start3A_38 : memref<1x128xi32, #tpu.memory_space<vmem>> -> memref<128xi32, #tpu.memory_space<vmem>>
      %dma_start3A_40 = arith.constant 0 : i32
      %dma_start3A_41 = tpu.memref_slice %arg9[%dma_start3A_40] : memref<10112xf32, #tpu.memory_space<vmem_shared>> -> memref<10112xf32, #tpu.memory_space<vmem_shared>>
      tpu.enqueue_indirect_dma source(%arg7 : memref<128xf32, #tpu.memory_space<vmem>>) target(%dma_start3A_41 : memref<10112xf32, #tpu.memory_space<vmem_shared>>) offsets(%dma_start3A_39 : memref<128xi32, #tpu.memory_space<vmem>>) semaphore(%arg11 : memref<!tpu.dma_semaphore, #tpu.memory_space<semaphore_mem>>) {add = true}
    } else {
    }
    %add3A_17 = arith.constant 2 : i32
    %add3A_18 = arith.addi %mul3A_4, %add3A_17 : i32
    %lt3A_19 = arith.cmpi slt, %add3A_18, %min3A_7 : i32
    %convert_element_type3A_20 = arith.extui %lt3A_19 : i1 to i32
    %cond3A_21 = arith.constant 0 : i32
    %cond3A_22 = arith.cmpi ne, %convert_element_type3A_20, %cond3A_21 : i32
    scf.if %cond3A_22 {
      %dma_start3A = arith.constant 2 : i32
      %dma_start3A_37 = arith.constant 0 : i32
      %dma_start3A_38 = tpu.memref_slice %arg6[%dma_start3A, %dma_start3A_37] : memref<80x128xi32, #tpu.memory_space<vmem>> -> memref<1x128xi32, #tpu.memory_space<vmem>>
      %dma_start3A_39 = tpu.memref_squeeze %dma_start3A_38 : memref<1x128xi32, #tpu.memory_space<vmem>> -> memref<128xi32, #tpu.memory_space<vmem>>
      %dma_start3A_40 = arith.constant 0 : i32
      %dma_start3A_41 = tpu.memref_slice %arg9[%dma_start3A_40] : memref<10112xf32, #tpu.memory_space<vmem_shared>> -> memref<10112xf32, #tpu.memory_space<vmem_shared>>
      tpu.enqueue_indirect_dma source(%arg7 : memref<128xf32, #tpu.memory_space<vmem>>) target(%dma_start3A_41 : memref<10112xf32, #tpu.memory_space<vmem_shared>>) offsets(%dma_start3A_39 : memref<128xi32, #tpu.memory_space<vmem>>) semaphore(%arg12 : memref<!tpu.dma_semaphore, #tpu.memory_space<semaphore_mem>>) {add = true}
    } else {
    }
    %add3A_23 = arith.constant 3 : i32
    %add3A_24 = arith.addi %mul3A_4, %add3A_23 : i32
    %lt3A_25 = arith.cmpi slt, %add3A_24, %min3A_7 : i32
    %convert_element_type3A_26 = arith.extui %lt3A_25 : i1 to i32
    %cond3A_27 = arith.constant 0 : i32
    %cond3A_28 = arith.cmpi ne, %convert_element_type3A_26, %cond3A_27 : i32
    scf.if %cond3A_28 {
      %dma_start3A = arith.constant 3 : i32
      %dma_start3A_37 = arith.constant 0 : i32
      %dma_start3A_38 = tpu.memref_slice %arg6[%dma_start3A, %dma_start3A_37] : memref<80x128xi32, #tpu.memory_space<vmem>> -> memref<1x128xi32, #tpu.memory_space<vmem>>
      %dma_start3A_39 = tpu.memref_squeeze %dma_start3A_38 : memref<1x128xi32, #tpu.memory_space<vmem>> -> memref<128xi32, #tpu.memory_space<vmem>>
      %dma_start3A_40 = arith.constant 0 : i32
      %dma_start3A_41 = tpu.memref_slice %arg9[%dma_start3A_40] : memref<10112xf32, #tpu.memory_space<vmem_shared>> -> memref<10112xf32, #tpu.memory_space<vmem_shared>>
      tpu.enqueue_indirect_dma source(%arg7 : memref<128xf32, #tpu.memory_space<vmem>>) target(%dma_start3A_41 : memref<10112xf32, #tpu.memory_space<vmem_shared>>) offsets(%dma_start3A_39 : memref<128xi32, #tpu.memory_space<vmem>>) semaphore(%arg13 : memref<!tpu.dma_semaphore, #tpu.memory_space<semaphore_mem>>) {add = true}
    } else {
    }
    %scan3A = arith.constant 0 : i32
    %scan3A_29 = arith.constant 20 : i32
    %scan3A_30 = arith.addi %scan3A, %scan3A_29 : i32
    %scan3A_31 = arith.constant 1 : i32
    scf.for %scan3A_37 = %scan3A to %scan3A_30 step %scan3A_31  : i32 {
      %mul3A_38 = arith.constant 4 : i32
      %mul3A_39 = arith.muli %scan3A_37, %mul3A_38 : i32
      %add3A_40 = arith.constant 0 : i32
      %add3A_41 = arith.addi %mul3A_39, %add3A_40 : i32
      %add3A_42 = arith.constant 4 : i32
      %add3A_43 = arith.addi %add3A_41, %add3A_42 : i32
      %add3A_44 = arith.addi %mul3A_4, %add3A_41 : i32
      %lt3A_45 = arith.cmpi slt, %add3A_44, %min3A_7 : i32
      %convert_element_type3A_46 = arith.extui %lt3A_45 : i1 to i32
      %cond3A_47 = arith.constant 0 : i32
      %cond3A_48 = arith.cmpi ne, %convert_element_type3A_46, %cond3A_47 : i32
      scf.if %cond3A_48 {
        %dma_wait3A = arith.constant 0 : i32
        %dma_wait3A_113 = tpu.memref_slice %arg6[%add3A_41, %dma_wait3A] : memref<80x128xi32, #tpu.memory_space<vmem>> -> memref<1x128xi32, #tpu.memory_space<vmem>>
        %dma_wait3A_114 = tpu.memref_squeeze %dma_wait3A_113 : memref<1x128xi32, #tpu.memory_space<vmem>> -> memref<128xi32, #tpu.memory_space<vmem>>
        %dma_wait3A_115 = arith.constant 0 : i32
        %dma_wait3A_116 = tpu.memref_slice %arg9[%dma_wait3A_115] : memref<10112xf32, #tpu.memory_space<vmem_shared>> -> memref<10112xf32, #tpu.memory_space<vmem_shared>>
        tpu.wait_indirect_dma semaphore(%arg10 : memref<!tpu.dma_semaphore, #tpu.memory_space<semaphore_mem>>) src(%arg7 : memref<128xf32, #tpu.memory_space<vmem>>) dst(%dma_wait3A_116 : memref<10112xf32, #tpu.memory_space<vmem_shared>>)
      } else {
      }
      %lt3A_49 = arith.constant 80 : i32
      %lt3A_50 = arith.cmpi slt, %add3A_43, %lt3A_49 : i32
      %add3A_51 = arith.addi %mul3A_4, %add3A_43 : i32
      %lt3A_52 = arith.cmpi slt, %add3A_51, %min3A_7 : i32
      %and3A = arith.andi %lt3A_50, %lt3A_52 : i1
      %convert_element_type3A_53 = arith.extui %and3A : i1 to i32
      %cond3A_54 = arith.constant 0 : i32
      %cond3A_55 = arith.cmpi ne, %convert_element_type3A_53, %cond3A_54 : i32
      scf.if %cond3A_55 {
        %dma_start3A = arith.constant 0 : i32
        %dma_start3A_113 = tpu.memref_slice %arg6[%add3A_43, %dma_start3A] : memref<80x128xi32, #tpu.memory_space<vmem>> -> memref<1x128xi32, #tpu.memory_space<vmem>>
        %dma_start3A_114 = tpu.memref_squeeze %dma_start3A_113 : memref<1x128xi32, #tpu.memory_space<vmem>> -> memref<128xi32, #tpu.memory_space<vmem>>
        %dma_start3A_115 = arith.constant 0 : i32
        %dma_start3A_116 = tpu.memref_slice %arg9[%dma_start3A_115] : memref<10112xf32, #tpu.memory_space<vmem_shared>> -> memref<10112xf32, #tpu.memory_space<vmem_shared>>
        tpu.enqueue_indirect_dma source(%arg7 : memref<128xf32, #tpu.memory_space<vmem>>) target(%dma_start3A_116 : memref<10112xf32, #tpu.memory_space<vmem_shared>>) offsets(%dma_start3A_114 : memref<128xi32, #tpu.memory_space<vmem>>) semaphore(%arg10 : memref<!tpu.dma_semaphore, #tpu.memory_space<semaphore_mem>>) {add = true}
      } else {
      }
      %mul3A_56 = arith.constant 4 : i32
      %mul3A_57 = arith.muli %scan3A_37, %mul3A_56 : i32
      %add3A_58 = arith.constant 1 : i32
      %add3A_59 = arith.addi %mul3A_57, %add3A_58 : i32
      %add3A_60 = arith.constant 4 : i32
      %add3A_61 = arith.addi %add3A_59, %add3A_60 : i32
      %add3A_62 = arith.addi %mul3A_4, %add3A_59 : i32
      %lt3A_63 = arith.cmpi slt, %add3A_62, %min3A_7 : i32
      %convert_element_type3A_64 = arith.extui %lt3A_63 : i1 to i32
      %cond3A_65 = arith.constant 0 : i32
      %cond3A_66 = arith.cmpi ne, %convert_element_type3A_64, %cond3A_65 : i32
      scf.if %cond3A_66 {
        %dma_wait3A = arith.constant 0 : i32
        %dma_wait3A_113 = tpu.memref_slice %arg6[%add3A_59, %dma_wait3A] : memref<80x128xi32, #tpu.memory_space<vmem>> -> memref<1x128xi32, #tpu.memory_space<vmem>>
        %dma_wait3A_114 = tpu.memref_squeeze %dma_wait3A_113 : memref<1x128xi32, #tpu.memory_space<vmem>> -> memref<128xi32, #tpu.memory_space<vmem>>
        %dma_wait3A_115 = arith.constant 0 : i32
        %dma_wait3A_116 = tpu.memref_slice %arg9[%dma_wait3A_115] : memref<10112xf32, #tpu.memory_space<vmem_shared>> -> memref<10112xf32, #tpu.memory_space<vmem_shared>>
        tpu.wait_indirect_dma semaphore(%arg11 : memref<!tpu.dma_semaphore, #tpu.memory_space<semaphore_mem>>) src(%arg7 : memref<128xf32, #tpu.memory_space<vmem>>) dst(%dma_wait3A_116 : memref<10112xf32, #tpu.memory_space<vmem_shared>>)
      } else {
      }
      %lt3A_67 = arith.constant 80 : i32
      %lt3A_68 = arith.cmpi slt, %add3A_61, %lt3A_67 : i32
      %add3A_69 = arith.addi %mul3A_4, %add3A_61 : i32
      %lt3A_70 = arith.cmpi slt, %add3A_69, %min3A_7 : i32
      %and3A_71 = arith.andi %lt3A_68, %lt3A_70 : i1
      %convert_element_type3A_72 = arith.extui %and3A_71 : i1 to i32
      %cond3A_73 = arith.constant 0 : i32
      %cond3A_74 = arith.cmpi ne, %convert_element_type3A_72, %cond3A_73 : i32
      scf.if %cond3A_74 {
        %dma_start3A = arith.constant 0 : i32
        %dma_start3A_113 = tpu.memref_slice %arg6[%add3A_61, %dma_start3A] : memref<80x128xi32, #tpu.memory_space<vmem>> -> memref<1x128xi32, #tpu.memory_space<vmem>>
        %dma_start3A_114 = tpu.memref_squeeze %dma_start3A_113 : memref<1x128xi32, #tpu.memory_space<vmem>> -> memref<128xi32, #tpu.memory_space<vmem>>
        %dma_start3A_115 = arith.constant 0 : i32
        %dma_start3A_116 = tpu.memref_slice %arg9[%dma_start3A_115] : memref<10112xf32, #tpu.memory_space<vmem_shared>> -> memref<10112xf32, #tpu.memory_space<vmem_shared>>
        tpu.enqueue_indirect_dma source(%arg7 : memref<128xf32, #tpu.memory_space<vmem>>) target(%dma_start3A_116 : memref<10112xf32, #tpu.memory_space<vmem_shared>>) offsets(%dma_start3A_114 : memref<128xi32, #tpu.memory_space<vmem>>) semaphore(%arg11 : memref<!tpu.dma_semaphore, #tpu.memory_space<semaphore_mem>>) {add = true}
      } else {
      }
      %mul3A_75 = arith.constant 4 : i32
      %mul3A_76 = arith.muli %scan3A_37, %mul3A_75 : i32
      %add3A_77 = arith.constant 2 : i32
      %add3A_78 = arith.addi %mul3A_76, %add3A_77 : i32
      %add3A_79 = arith.constant 4 : i32
      %add3A_80 = arith.addi %add3A_78, %add3A_79 : i32
      %add3A_81 = arith.addi %mul3A_4, %add3A_78 : i32
      %lt3A_82 = arith.cmpi slt, %add3A_81, %min3A_7 : i32
      %convert_element_type3A_83 = arith.extui %lt3A_82 : i1 to i32
      %cond3A_84 = arith.constant 0 : i32
      %cond3A_85 = arith.cmpi ne, %convert_element_type3A_83, %cond3A_84 : i32
      scf.if %cond3A_85 {
        %dma_wait3A = arith.constant 0 : i32
        %dma_wait3A_113 = tpu.memref_slice %arg6[%add3A_78, %dma_wait3A] : memref<80x128xi32, #tpu.memory_space<vmem>> -> memref<1x128xi32, #tpu.memory_space<vmem>>
        %dma_wait3A_114 = tpu.memref_squeeze %dma_wait3A_113 : memref<1x128xi32, #tpu.memory_space<vmem>> -> memref<128xi32, #tpu.memory_space<vmem>>
        %dma_wait3A_115 = arith.constant 0 : i32
        %dma_wait3A_116 = tpu.memref_slice %arg9[%dma_wait3A_115] : memref<10112xf32, #tpu.memory_space<vmem_shared>> -> memref<10112xf32, #tpu.memory_space<vmem_shared>>
        tpu.wait_indirect_dma semaphore(%arg12 : memref<!tpu.dma_semaphore, #tpu.memory_space<semaphore_mem>>) src(%arg7 : memref<128xf32, #tpu.memory_space<vmem>>) dst(%dma_wait3A_116 : memref<10112xf32, #tpu.memory_space<vmem_shared>>)
      } else {
      }
      %lt3A_86 = arith.constant 80 : i32
      %lt3A_87 = arith.cmpi slt, %add3A_80, %lt3A_86 : i32
      %add3A_88 = arith.addi %mul3A_4, %add3A_80 : i32
      %lt3A_89 = arith.cmpi slt, %add3A_88, %min3A_7 : i32
      %and3A_90 = arith.andi %lt3A_87, %lt3A_89 : i1
      %convert_element_type3A_91 = arith.extui %and3A_90 : i1 to i32
      %cond3A_92 = arith.constant 0 : i32
      %cond3A_93 = arith.cmpi ne, %convert_element_type3A_91, %cond3A_92 : i32
      scf.if %cond3A_93 {
        %dma_start3A = arith.constant 0 : i32
        %dma_start3A_113 = tpu.memref_slice %arg6[%add3A_80, %dma_start3A] : memref<80x128xi32, #tpu.memory_space<vmem>> -> memref<1x128xi32, #tpu.memory_space<vmem>>
        %dma_start3A_114 = tpu.memref_squeeze %dma_start3A_113 : memref<1x128xi32, #tpu.memory_space<vmem>> -> memref<128xi32, #tpu.memory_space<vmem>>
        %dma_start3A_115 = arith.constant 0 : i32
        %dma_start3A_116 = tpu.memref_slice %arg9[%dma_start3A_115] : memref<10112xf32, #tpu.memory_space<vmem_shared>> -> memref<10112xf32, #tpu.memory_space<vmem_shared>>
        tpu.enqueue_indirect_dma source(%arg7 : memref<128xf32, #tpu.memory_space<vmem>>) target(%dma_start3A_116 : memref<10112xf32, #tpu.memory_space<vmem_shared>>) offsets(%dma_start3A_114 : memref<128xi32, #tpu.memory_space<vmem>>) semaphore(%arg12 : memref<!tpu.dma_semaphore, #tpu.memory_space<semaphore_mem>>) {add = true}
      } else {
      }
      %mul3A_94 = arith.constant 4 : i32
      %mul3A_95 = arith.muli %scan3A_37, %mul3A_94 : i32
      %add3A_96 = arith.constant 3 : i32
      %add3A_97 = arith.addi %mul3A_95, %add3A_96 : i32
      %add3A_98 = arith.constant 4 : i32
      %add3A_99 = arith.addi %add3A_97, %add3A_98 : i32
      %add3A_100 = arith.addi %mul3A_4, %add3A_97 : i32
      %lt3A_101 = arith.cmpi slt, %add3A_100, %min3A_7 : i32
      %convert_element_type3A_102 = arith.extui %lt3A_101 : i1 to i32
      %cond3A_103 = arith.constant 0 : i32
      %cond3A_104 = arith.cmpi ne, %convert_element_type3A_102, %cond3A_103 : i32
      scf.if %cond3A_104 {
        %dma_wait3A = arith.constant 0 : i32
        %dma_wait3A_113 = tpu.memref_slice %arg6[%add3A_97, %dma_wait3A] : memref<80x128xi32, #tpu.memory_space<vmem>> -> memref<1x128xi32, #tpu.memory_space<vmem>>
        %dma_wait3A_114 = tpu.memref_squeeze %dma_wait3A_113 : memref<1x128xi32, #tpu.memory_space<vmem>> -> memref<128xi32, #tpu.memory_space<vmem>>
        %dma_wait3A_115 = arith.constant 0 : i32
        %dma_wait3A_116 = tpu.memref_slice %arg9[%dma_wait3A_115] : memref<10112xf32, #tpu.memory_space<vmem_shared>> -> memref<10112xf32, #tpu.memory_space<vmem_shared>>
        tpu.wait_indirect_dma semaphore(%arg13 : memref<!tpu.dma_semaphore, #tpu.memory_space<semaphore_mem>>) src(%arg7 : memref<128xf32, #tpu.memory_space<vmem>>) dst(%dma_wait3A_116 : memref<10112xf32, #tpu.memory_space<vmem_shared>>)
      } else {
      }
      %lt3A_105 = arith.constant 80 : i32
      %lt3A_106 = arith.cmpi slt, %add3A_99, %lt3A_105 : i32
      %add3A_107 = arith.addi %mul3A_4, %add3A_99 : i32
      %lt3A_108 = arith.cmpi slt, %add3A_107, %min3A_7 : i32
      %and3A_109 = arith.andi %lt3A_106, %lt3A_108 : i1
      %convert_element_type3A_110 = arith.extui %and3A_109 : i1 to i32
      %cond3A_111 = arith.constant 0 : i32
      %cond3A_112 = arith.cmpi ne, %convert_element_type3A_110, %cond3A_111 : i32
      scf.if %cond3A_112 {
        %dma_start3A = arith.constant 0 : i32
        %dma_start3A_113 = tpu.memref_slice %arg6[%add3A_99, %dma_start3A] : memref<80x128xi32, #tpu.memory_space<vmem>> -> memref<1x128xi32, #tpu.memory_space<vmem>>
        %dma_start3A_114 = tpu.memref_squeeze %dma_start3A_113 : memref<1x128xi32, #tpu.memory_space<vmem>> -> memref<128xi32, #tpu.memory_space<vmem>>
        %dma_start3A_115 = arith.constant 0 : i32
        %dma_start3A_116 = tpu.memref_slice %arg9[%dma_start3A_115] : memref<10112xf32, #tpu.memory_space<vmem_shared>> -> memref<10112xf32, #tpu.memory_space<vmem_shared>>
        tpu.enqueue_indirect_dma source(%arg7 : memref<128xf32, #tpu.memory_space<vmem>>) target(%dma_start3A_116 : memref<10112xf32, #tpu.memory_space<vmem_shared>>) offsets(%dma_start3A_114 : memref<128xi32, #tpu.memory_space<vmem>>) semaphore(%arg13 : memref<!tpu.dma_semaphore, #tpu.memory_space<semaphore_mem>>) {add = true}
      } else {
      }
    }
    %scan3A_32 = arith.constant 20 : i32
    %barrier3A_33 = arith.constant 0 : index
    tpu.barrier barrier_id(%barrier3A_33)
    "tpu.region"() ({
      %run_scoped3A = tpu.sem_alloc : memref<!tpu.dma_semaphore, #tpu.memory_space<semaphore_mem>>
      %dma_start3A = tpu.memref_slice %arg9[%mul3A_2] : memref<10112xf32, #tpu.memory_space<vmem_shared>> -> memref<632xf32, #tpu.memory_space<vmem_shared>>
      %dma_start3A_37 = tpu.memref_slice %arg9[%mul3A_2] : memref<10112xf32, #tpu.memory_space<vmem_shared>> -> memref<632xf32, #tpu.memory_space<vmem_shared>>
      tpu.enqueue_dma source(%dma_start3A_37 : memref<632xf32, #tpu.memory_space<vmem_shared>>) target(%arg8 : memref<632xf32, #tpu.memory_space<vmem>>) target_semaphore(%run_scoped3A : memref<!tpu.dma_semaphore, #tpu.memory_space<semaphore_mem>>)
      %dma_wait3A = tpu.memref_slice %arg9[%mul3A_2] : memref<10112xf32, #tpu.memory_space<vmem_shared>> -> memref<632xf32, #tpu.memory_space<vmem_shared>>
      %dma_wait3A_38 = tpu.memref_slice %arg9[%mul3A_2] : memref<10112xf32, #tpu.memory_space<vmem_shared>> -> memref<632xf32, #tpu.memory_space<vmem_shared>>
      tpu.wait_dma2 semaphore(%run_scoped3A : memref<!tpu.dma_semaphore, #tpu.memory_space<semaphore_mem>>) src(%dma_wait3A_38 : memref<632xf32, #tpu.memory_space<vmem_shared>>) dst(%arg8 : memref<632xf32, #tpu.memory_space<vmem>>)
      tpu.yield
    }) : () -> ()
    %mul3A_34 = arith.constant 10112 : i32
    %mul3A_35 = arith.muli %arg0, %mul3A_34 : i32
    %add3A_36 = arith.addi %mul3A_35, %mul3A_2 : i32
    "tpu.region"() ({
      %run_scoped3A = tpu.sem_alloc : memref<!tpu.dma_semaphore, #tpu.memory_space<semaphore_mem>>
      %dma_start3A = tpu.memref_slice %arg5[%add3A_36] : memref<20224xf32, #tpu.memory_space<hbm>> -> memref<632xf32, #tpu.memory_space<hbm>>
      %dma_start3A_37 = tpu.memref_slice %arg5[%add3A_36] : memref<20224xf32, #tpu.memory_space<hbm>> -> memref<632xf32, #tpu.memory_space<hbm>>
      tpu.enqueue_dma source(%arg8 : memref<632xf32, #tpu.memory_space<vmem>>) target(%dma_start3A_37 : memref<632xf32, #tpu.memory_space<hbm>>) target_semaphore(%run_scoped3A : memref<!tpu.dma_semaphore, #tpu.memory_space<semaphore_mem>>)
      %dma_wait3A = tpu.memref_slice %arg5[%add3A_36] : memref<20224xf32, #tpu.memory_space<hbm>> -> memref<632xf32, #tpu.memory_space<hbm>>
      %dma_wait3A_38 = tpu.memref_slice %arg5[%add3A_36] : memref<20224xf32, #tpu.memory_space<hbm>> -> memref<632xf32, #tpu.memory_space<hbm>>
      tpu.wait_dma2 semaphore(%run_scoped3A : memref<!tpu.dma_semaphore, #tpu.memory_space<semaphore_mem>>) src(%arg8 : memref<632xf32, #tpu.memory_space<vmem>>) dst(%dma_wait3A_38 : memref<632xf32, #tpu.memory_space<hbm>>)
      tpu.yield
    }) : () -> ()
    return
  }
}

#map = affine_map<(d0, d1) -> (0, 0)>
#map1 = affine_map<(d0, d1) -> (0, 0, 0)>
module attributes {stable_mosaic.version = 14 : i64} {
  func.func @agg_kernel(%arg0: i32, %arg1: i32, %arg2: memref<10112x128xf32, #tpu.memory_space<hbm>>, %arg3: memref<2592x256xi32, #tpu.memory_space<hbm>>, %arg4: memref<632x128xf32, #tpu.memory_space<hbm>>, %arg5: memref<2x10112x128xf32, #tpu.memory_space<hbm>>, %arg6: memref<256xi32, #tpu.memory_space<vmem>>, %arg7: memref<256xi32, #tpu.memory_space<vmem>>, %arg8: memref<256xi32, #tpu.memory_space<vmem>>, %arg9: memref<128x128xf32, #tpu.memory_space<vmem>>, %arg10: memref<128x128xf32, #tpu.memory_space<vmem>>, %arg11: memref<128x128xf32, #tpu.memory_space<vmem>>, %arg12: memref<10112x128xf32, #tpu.memory_space<vmem_shared>>, %arg13: memref<!tpu.dma_semaphore, #tpu.memory_space<semaphore_mem>>, %arg14: memref<!tpu.dma_semaphore, #tpu.memory_space<semaphore_mem>>, %arg15: memref<!tpu.dma_semaphore, #tpu.memory_space<semaphore_mem>>, %arg16: memref<!tpu.dma_semaphore, #tpu.memory_space<semaphore_mem>>, %arg17: memref<!tpu.dma_semaphore, #tpu.memory_space<semaphore_mem>>, %arg18: memref<!tpu.dma_semaphore, #tpu.memory_space<semaphore_mem>>, %arg19: memref<!tpu.dma_semaphore, #tpu.memory_space<semaphore_mem>>, %arg20: memref<!tpu.dma_semaphore, #tpu.memory_space<semaphore_mem>>, %arg21: memref<!tpu.dma_semaphore, #tpu.memory_space<semaphore_mem>>, %arg22: memref<!tpu.dma_semaphore, #tpu.memory_space<semaphore_mem>>) attributes {dimension_semantics = [#tpu.dimension_semantics<core_parallel>, #tpu.dimension_semantics<subcore_parallel>], iteration_bounds = array<i64: 2, 16>, scalar_prefetch = 0 : i64, scratch_operands = 17 : i64, tpu.core_type = #tpu.core_type<sc_vector_subcore>, window_params = [{transform_indices = #map}, {transform_indices = #map}, {transform_indices = #map}, {transform_indices = #map1}]} {
    %mul3A = arith.constant 2 : i32
    %mul3A_0 = arith.muli %arg1, %mul3A : i32
    %add3A = arith.addi %mul3A_0, %arg0 : i32
    %mul3A_1 = arith.constant 632 : i32
    %mul3A_2 = arith.muli %arg1, %mul3A_1 : i32
    %mul3A_3 = arith.constant 81 : i32
    %mul3A_4 = arith.muli %add3A, %mul3A_3 : i32
    %add3A_5 = arith.constant 81 : i32
    %add3A_6 = arith.addi %mul3A_4, %add3A_5 : i32
    %min3A = arith.constant 2500 : i32
    %min3A_7 = arith.minsi %add3A_6, %min3A : i32
    %dma_start3A = arith.constant 0 : i32
    %dma_start3A_8 = tpu.memref_slice %arg12[%mul3A_2, %dma_start3A] : memref<10112x128xf32, #tpu.memory_space<vmem_shared>> -> memref<632x128xf32, #tpu.memory_space<vmem_shared>>
    tpu.enqueue_dma source(%arg4 : memref<632x128xf32, #tpu.memory_space<hbm>>) target(%dma_start3A_8 : memref<632x128xf32, #tpu.memory_space<vmem_shared>>) target_semaphore(%arg22 : memref<!tpu.dma_semaphore, #tpu.memory_space<semaphore_mem>>)
    %lt3A = arith.cmpi slt, %mul3A_4, %min3A_7 : i32
    %convert_element_type3A = arith.extui %lt3A : i1 to i32
    %cond3A = arith.constant 0 : i32
    %cond3A_9 = arith.cmpi ne, %convert_element_type3A, %cond3A : i32
    scf.if %cond3A_9 {
      %add3A_36 = arith.constant 0 : i32
      %add3A_37 = arith.addi %mul3A_4, %add3A_36 : i32
      %dma_start3A_38 = arith.constant 0 : i32
      %dma_start3A_39 = tpu.memref_slice %arg3[%add3A_37, %dma_start3A_38] : memref<2592x256xi32, #tpu.memory_space<hbm>> -> memref<1x256xi32, #tpu.memory_space<hbm>>
      %dma_start3A_40 = tpu.memref_squeeze %dma_start3A_39 : memref<1x256xi32, #tpu.memory_space<hbm>> -> memref<256xi32, #tpu.memory_space<hbm>>
      %dma_start3A_41 = arith.constant 0 : i32
      %dma_start3A_42 = tpu.memref_slice %arg3[%add3A_37, %dma_start3A_41] : memref<2592x256xi32, #tpu.memory_space<hbm>> -> memref<1x256xi32, #tpu.memory_space<hbm>>
      %dma_start3A_43 = tpu.memref_squeeze %dma_start3A_42 : memref<1x256xi32, #tpu.memory_space<hbm>> -> memref<256xi32, #tpu.memory_space<hbm>>
      tpu.enqueue_dma source(%dma_start3A_43 : memref<256xi32, #tpu.memory_space<hbm>>) target(%arg6 : memref<256xi32, #tpu.memory_space<vmem>>) target_semaphore(%arg13 : memref<!tpu.dma_semaphore, #tpu.memory_space<semaphore_mem>>)
    } else {
    }
    %dma_wait3A = arith.constant 0 : i32
    %dma_wait3A_10 = tpu.memref_slice %arg12[%mul3A_2, %dma_wait3A] : memref<10112x128xf32, #tpu.memory_space<vmem_shared>> -> memref<632x128xf32, #tpu.memory_space<vmem_shared>>
    tpu.wait_dma2 semaphore(%arg22 : memref<!tpu.dma_semaphore, #tpu.memory_space<semaphore_mem>>) src(%arg4 : memref<632x128xf32, #tpu.memory_space<hbm>>) dst(%dma_wait3A_10 : memref<632x128xf32, #tpu.memory_space<vmem_shared>>)
    %barrier3A = arith.constant 0 : index
    tpu.barrier barrier_id(%barrier3A)
    %scan3A = arith.constant 0 : i32
    %scan3A_11 = arith.constant 27 : i32
    %scan3A_12 = arith.addi %scan3A, %scan3A_11 : i32
    %scan3A_13 = arith.constant 1 : i32
    scf.for %scan3A_36 = %scan3A to %scan3A_12 step %scan3A_13  : i32 {
      %mul3A_37 = arith.constant 3 : i32
      %mul3A_38 = arith.muli %scan3A_36, %mul3A_37 : i32
      %add3A_39 = arith.constant 0 : i32
      %add3A_40 = arith.addi %mul3A_38, %add3A_39 : i32
      %add3A_41 = arith.addi %mul3A_4, %add3A_40 : i32
      %lt3A_42 = arith.cmpi slt, %add3A_41, %min3A_7 : i32
      %convert_element_type3A_43 = arith.extui %lt3A_42 : i1 to i32
      %cond3A_44 = arith.constant 0 : i32
      %cond3A_45 = arith.cmpi ne, %convert_element_type3A_43, %cond3A_44 : i32
      scf.if %cond3A_45 {
        %add3A_159 = arith.addi %mul3A_4, %add3A_40 : i32
        %dma_wait3A_160 = arith.constant 0 : i32
        %dma_wait3A_161 = tpu.memref_slice %arg3[%add3A_159, %dma_wait3A_160] : memref<2592x256xi32, #tpu.memory_space<hbm>> -> memref<1x256xi32, #tpu.memory_space<hbm>>
        %dma_wait3A_162 = tpu.memref_squeeze %dma_wait3A_161 : memref<1x256xi32, #tpu.memory_space<hbm>> -> memref<256xi32, #tpu.memory_space<hbm>>
        %dma_wait3A_163 = arith.constant 0 : i32
        %dma_wait3A_164 = tpu.memref_slice %arg3[%add3A_159, %dma_wait3A_163] : memref<2592x256xi32, #tpu.memory_space<hbm>> -> memref<1x256xi32, #tpu.memory_space<hbm>>
        %dma_wait3A_165 = tpu.memref_squeeze %dma_wait3A_164 : memref<1x256xi32, #tpu.memory_space<hbm>> -> memref<256xi32, #tpu.memory_space<hbm>>
        tpu.wait_dma2 semaphore(%arg13 : memref<!tpu.dma_semaphore, #tpu.memory_space<semaphore_mem>>) src(%dma_wait3A_165 : memref<256xi32, #tpu.memory_space<hbm>>) dst(%arg6 : memref<256xi32, #tpu.memory_space<vmem>>)
        %dma_start3A_166 = arith.constant 0 : i32
        %dma_start3A_167 = tpu.memref_slice %arg6[%dma_start3A_166] : memref<256xi32, #tpu.memory_space<vmem>> -> memref<128xi32, #tpu.memory_space<vmem>>
        %dma_start3A_168 = arith.constant 0 : i32
        %dma_start3A_169 = arith.constant 0 : i32
        %dma_start3A_170 = tpu.memref_slice %arg2[%dma_start3A_168, %dma_start3A_169] : memref<10112x128xf32, #tpu.memory_space<hbm>> -> memref<10112x128xf32, #tpu.memory_space<hbm>>
        tpu.enqueue_indirect_dma source(%dma_start3A_170 : memref<10112x128xf32, #tpu.memory_space<hbm>>) target(%arg9 : memref<128x128xf32, #tpu.memory_space<vmem>>) offsets(%dma_start3A_167 : memref<128xi32, #tpu.memory_space<vmem>>) semaphore(%arg16 : memref<!tpu.dma_semaphore, #tpu.memory_space<semaphore_mem>>)
      } else {
      }
      %ge3A = arith.constant 1 : i32
      %ge3A_46 = arith.cmpi sge, %add3A_40, %ge3A : i32
      %add3A_47 = arith.addi %mul3A_4, %add3A_40 : i32
      %sub3A_48 = arith.constant 1 : i32
      %sub3A_49 = arith.subi %add3A_47, %sub3A_48 : i32
      %lt3A_50 = arith.cmpi slt, %sub3A_49, %min3A_7 : i32
      %and3A_51 = arith.andi %ge3A_46, %lt3A_50 : i1
      %convert_element_type3A_52 = arith.extui %and3A_51 : i1 to i32
      %cond3A_53 = arith.constant 0 : i32
      %cond3A_54 = arith.cmpi ne, %convert_element_type3A_52, %cond3A_53 : i32
      scf.if %cond3A_54 {
        %dma_wait3A_159 = arith.constant 0 : i32
        %dma_wait3A_160 = tpu.memref_slice %arg8[%dma_wait3A_159] : memref<256xi32, #tpu.memory_space<vmem>> -> memref<128xi32, #tpu.memory_space<vmem>>
        %dma_wait3A_161 = arith.constant 0 : i32
        %dma_wait3A_162 = arith.constant 0 : i32
        %dma_wait3A_163 = tpu.memref_slice %arg2[%dma_wait3A_161, %dma_wait3A_162] : memref<10112x128xf32, #tpu.memory_space<hbm>> -> memref<10112x128xf32, #tpu.memory_space<hbm>>
        tpu.wait_indirect_dma semaphore(%arg18 : memref<!tpu.dma_semaphore, #tpu.memory_space<semaphore_mem>>) src(%dma_wait3A_163 : memref<10112x128xf32, #tpu.memory_space<hbm>>) dst(%arg11 : memref<128x128xf32, #tpu.memory_space<vmem>>)
        %dma_start3A_164 = arith.constant 128 : i32
        %dma_start3A_165 = tpu.memref_slice %arg8[%dma_start3A_164] : memref<256xi32, #tpu.memory_space<vmem>> -> memref<128xi32, #tpu.memory_space<vmem>>
        %dma_start3A_166 = arith.constant 0 : i32
        %dma_start3A_167 = arith.constant 0 : i32
        %dma_start3A_168 = tpu.memref_slice %arg12[%dma_start3A_166, %dma_start3A_167] : memref<10112x128xf32, #tpu.memory_space<vmem_shared>> -> memref<10112x128xf32, #tpu.memory_space<vmem_shared>>
        tpu.enqueue_indirect_dma source(%arg11 : memref<128x128xf32, #tpu.memory_space<vmem>>) target(%dma_start3A_168 : memref<10112x128xf32, #tpu.memory_space<vmem_shared>>) offsets(%dma_start3A_165 : memref<128xi32, #tpu.memory_space<vmem>>) semaphore(%arg21 : memref<!tpu.dma_semaphore, #tpu.memory_space<semaphore_mem>>) {add = true}
      } else {
      }
      %ge3A_55 = arith.constant 2 : i32
      %ge3A_56 = arith.cmpi sge, %add3A_40, %ge3A_55 : i32
      %add3A_57 = arith.addi %mul3A_4, %add3A_40 : i32
      %sub3A_58 = arith.constant 2 : i32
      %sub3A_59 = arith.subi %add3A_57, %sub3A_58 : i32
      %lt3A_60 = arith.cmpi slt, %sub3A_59, %min3A_7 : i32
      %and3A_61 = arith.andi %ge3A_56, %lt3A_60 : i1
      %convert_element_type3A_62 = arith.extui %and3A_61 : i1 to i32
      %cond3A_63 = arith.constant 0 : i32
      %cond3A_64 = arith.cmpi ne, %convert_element_type3A_62, %cond3A_63 : i32
      scf.if %cond3A_64 {
        %dma_wait3A_159 = arith.constant 128 : i32
        %dma_wait3A_160 = tpu.memref_slice %arg7[%dma_wait3A_159] : memref<256xi32, #tpu.memory_space<vmem>> -> memref<128xi32, #tpu.memory_space<vmem>>
        %dma_wait3A_161 = arith.constant 0 : i32
        %dma_wait3A_162 = arith.constant 0 : i32
        %dma_wait3A_163 = tpu.memref_slice %arg12[%dma_wait3A_161, %dma_wait3A_162] : memref<10112x128xf32, #tpu.memory_space<vmem_shared>> -> memref<10112x128xf32, #tpu.memory_space<vmem_shared>>
        tpu.wait_indirect_dma semaphore(%arg20 : memref<!tpu.dma_semaphore, #tpu.memory_space<semaphore_mem>>) src(%arg10 : memref<128x128xf32, #tpu.memory_space<vmem>>) dst(%dma_wait3A_163 : memref<10112x128xf32, #tpu.memory_space<vmem_shared>>)
      } else {
      }
      %add3A_65 = arith.constant 1 : i32
      %add3A_66 = arith.addi %add3A_40, %add3A_65 : i32
      %lt3A_67 = arith.constant 81 : i32
      %lt3A_68 = arith.cmpi slt, %add3A_66, %lt3A_67 : i32
      %add3A_69 = arith.addi %mul3A_4, %add3A_40 : i32
      %add3A_70 = arith.constant 1 : i32
      %add3A_71 = arith.addi %add3A_69, %add3A_70 : i32
      %lt3A_72 = arith.cmpi slt, %add3A_71, %min3A_7 : i32
      %and3A_73 = arith.andi %lt3A_68, %lt3A_72 : i1
      %convert_element_type3A_74 = arith.extui %and3A_73 : i1 to i32
      %cond3A_75 = arith.constant 0 : i32
      %cond3A_76 = arith.cmpi ne, %convert_element_type3A_74, %cond3A_75 : i32
      scf.if %cond3A_76 {
        %add3A_159 = arith.constant 1 : i32
        %add3A_160 = arith.addi %add3A_40, %add3A_159 : i32
        %add3A_161 = arith.addi %mul3A_4, %add3A_160 : i32
        %dma_start3A_162 = arith.constant 0 : i32
        %dma_start3A_163 = tpu.memref_slice %arg3[%add3A_161, %dma_start3A_162] : memref<2592x256xi32, #tpu.memory_space<hbm>> -> memref<1x256xi32, #tpu.memory_space<hbm>>
        %dma_start3A_164 = tpu.memref_squeeze %dma_start3A_163 : memref<1x256xi32, #tpu.memory_space<hbm>> -> memref<256xi32, #tpu.memory_space<hbm>>
        %dma_start3A_165 = arith.constant 0 : i32
        %dma_start3A_166 = tpu.memref_slice %arg3[%add3A_161, %dma_start3A_165] : memref<2592x256xi32, #tpu.memory_space<hbm>> -> memref<1x256xi32, #tpu.memory_space<hbm>>
        %dma_start3A_167 = tpu.memref_squeeze %dma_start3A_166 : memref<1x256xi32, #tpu.memory_space<hbm>> -> memref<256xi32, #tpu.memory_space<hbm>>
        tpu.enqueue_dma source(%dma_start3A_167 : memref<256xi32, #tpu.memory_space<hbm>>) target(%arg7 : memref<256xi32, #tpu.memory_space<vmem>>) target_semaphore(%arg14 : memref<!tpu.dma_semaphore, #tpu.memory_space<semaphore_mem>>)
      } else {
      }
      %mul3A_77 = arith.constant 3 : i32
      %mul3A_78 = arith.muli %scan3A_36, %mul3A_77 : i32
      %add3A_79 = arith.constant 1 : i32
      %add3A_80 = arith.addi %mul3A_78, %add3A_79 : i32
      %add3A_81 = arith.addi %mul3A_4, %add3A_80 : i32
      %lt3A_82 = arith.cmpi slt, %add3A_81, %min3A_7 : i32
      %convert_element_type3A_83 = arith.extui %lt3A_82 : i1 to i32
      %cond3A_84 = arith.constant 0 : i32
      %cond3A_85 = arith.cmpi ne, %convert_element_type3A_83, %cond3A_84 : i32
      scf.if %cond3A_85 {
        %add3A_159 = arith.addi %mul3A_4, %add3A_80 : i32
        %dma_wait3A_160 = arith.constant 0 : i32
        %dma_wait3A_161 = tpu.memref_slice %arg3[%add3A_159, %dma_wait3A_160] : memref<2592x256xi32, #tpu.memory_space<hbm>> -> memref<1x256xi32, #tpu.memory_space<hbm>>
        %dma_wait3A_162 = tpu.memref_squeeze %dma_wait3A_161 : memref<1x256xi32, #tpu.memory_space<hbm>> -> memref<256xi32, #tpu.memory_space<hbm>>
        %dma_wait3A_163 = arith.constant 0 : i32
        %dma_wait3A_164 = tpu.memref_slice %arg3[%add3A_159, %dma_wait3A_163] : memref<2592x256xi32, #tpu.memory_space<hbm>> -> memref<1x256xi32, #tpu.memory_space<hbm>>
        %dma_wait3A_165 = tpu.memref_squeeze %dma_wait3A_164 : memref<1x256xi32, #tpu.memory_space<hbm>> -> memref<256xi32, #tpu.memory_space<hbm>>
        tpu.wait_dma2 semaphore(%arg14 : memref<!tpu.dma_semaphore, #tpu.memory_space<semaphore_mem>>) src(%dma_wait3A_165 : memref<256xi32, #tpu.memory_space<hbm>>) dst(%arg7 : memref<256xi32, #tpu.memory_space<vmem>>)
        %dma_start3A_166 = arith.constant 0 : i32
        %dma_start3A_167 = tpu.memref_slice %arg7[%dma_start3A_166] : memref<256xi32, #tpu.memory_space<vmem>> -> memref<128xi32, #tpu.memory_space<vmem>>
        %dma_start3A_168 = arith.constant 0 : i32
        %dma_start3A_169 = arith.constant 0 : i32
        %dma_start3A_170 = tpu.memref_slice %arg2[%dma_start3A_168, %dma_start3A_169] : memref<10112x128xf32, #tpu.memory_space<hbm>> -> memref<10112x128xf32, #tpu.memory_space<hbm>>
        tpu.enqueue_indirect_dma source(%dma_start3A_170 : memref<10112x128xf32, #tpu.memory_space<hbm>>) target(%arg10 : memref<128x128xf32, #tpu.memory_space<vmem>>) offsets(%dma_start3A_167 : memref<128xi32, #tpu.memory_space<vmem>>) semaphore(%arg17 : memref<!tpu.dma_semaphore, #tpu.memory_space<semaphore_mem>>)
      } else {
      }
      %ge3A_86 = arith.constant 1 : i32
      %ge3A_87 = arith.cmpi sge, %add3A_80, %ge3A_86 : i32
      %add3A_88 = arith.addi %mul3A_4, %add3A_80 : i32
      %sub3A_89 = arith.constant 1 : i32
      %sub3A_90 = arith.subi %add3A_88, %sub3A_89 : i32
      %lt3A_91 = arith.cmpi slt, %sub3A_90, %min3A_7 : i32
      %and3A_92 = arith.andi %ge3A_87, %lt3A_91 : i1
      %convert_element_type3A_93 = arith.extui %and3A_92 : i1 to i32
      %cond3A_94 = arith.constant 0 : i32
      %cond3A_95 = arith.cmpi ne, %convert_element_type3A_93, %cond3A_94 : i32
      scf.if %cond3A_95 {
        %dma_wait3A_159 = arith.constant 0 : i32
        %dma_wait3A_160 = tpu.memref_slice %arg6[%dma_wait3A_159] : memref<256xi32, #tpu.memory_space<vmem>> -> memref<128xi32, #tpu.memory_space<vmem>>
        %dma_wait3A_161 = arith.constant 0 : i32
        %dma_wait3A_162 = arith.constant 0 : i32
        %dma_wait3A_163 = tpu.memref_slice %arg2[%dma_wait3A_161, %dma_wait3A_162] : memref<10112x128xf32, #tpu.memory_space<hbm>> -> memref<10112x128xf32, #tpu.memory_space<hbm>>
        tpu.wait_indirect_dma semaphore(%arg16 : memref<!tpu.dma_semaphore, #tpu.memory_space<semaphore_mem>>) src(%dma_wait3A_163 : memref<10112x128xf32, #tpu.memory_space<hbm>>) dst(%arg9 : memref<128x128xf32, #tpu.memory_space<vmem>>)
        %dma_start3A_164 = arith.constant 128 : i32
        %dma_start3A_165 = tpu.memref_slice %arg6[%dma_start3A_164] : memref<256xi32, #tpu.memory_space<vmem>> -> memref<128xi32, #tpu.memory_space<vmem>>
        %dma_start3A_166 = arith.constant 0 : i32
        %dma_start3A_167 = arith.constant 0 : i32
        %dma_start3A_168 = tpu.memref_slice %arg12[%dma_start3A_166, %dma_start3A_167] : memref<10112x128xf32, #tpu.memory_space<vmem_shared>> -> memref<10112x128xf32, #tpu.memory_space<vmem_shared>>
        tpu.enqueue_indirect_dma source(%arg9 : memref<128x128xf32, #tpu.memory_space<vmem>>) target(%dma_start3A_168 : memref<10112x128xf32, #tpu.memory_space<vmem_shared>>) offsets(%dma_start3A_165 : memref<128xi32, #tpu.memory_space<vmem>>) semaphore(%arg19 : memref<!tpu.dma_semaphore, #tpu.memory_space<semaphore_mem>>) {add = true}
      } else {
      }
      %ge3A_96 = arith.constant 2 : i32
      %ge3A_97 = arith.cmpi sge, %add3A_80, %ge3A_96 : i32
      %add3A_98 = arith.addi %mul3A_4, %add3A_80 : i32
      %sub3A_99 = arith.constant 2 : i32
      %sub3A_100 = arith.subi %add3A_98, %sub3A_99 : i32
      %lt3A_101 = arith.cmpi slt, %sub3A_100, %min3A_7 : i32
      %and3A_102 = arith.andi %ge3A_97, %lt3A_101 : i1
      %convert_element_type3A_103 = arith.extui %and3A_102 : i1 to i32
      %cond3A_104 = arith.constant 0 : i32
      %cond3A_105 = arith.cmpi ne, %convert_element_type3A_103, %cond3A_104 : i32
      scf.if %cond3A_105 {
        %dma_wait3A_159 = arith.constant 128 : i32
        %dma_wait3A_160 = tpu.memref_slice %arg8[%dma_wait3A_159] : memref<256xi32, #tpu.memory_space<vmem>> -> memref<128xi32, #tpu.memory_space<vmem>>
        %dma_wait3A_161 = arith.constant 0 : i32
        %dma_wait3A_162 = arith.constant 0 : i32
        %dma_wait3A_163 = tpu.memref_slice %arg12[%dma_wait3A_161, %dma_wait3A_162] : memref<10112x128xf32, #tpu.memory_space<vmem_shared>> -> memref<10112x128xf32, #tpu.memory_space<vmem_shared>>
        tpu.wait_indirect_dma semaphore(%arg21 : memref<!tpu.dma_semaphore, #tpu.memory_space<semaphore_mem>>) src(%arg11 : memref<128x128xf32, #tpu.memory_space<vmem>>) dst(%dma_wait3A_163 : memref<10112x128xf32, #tpu.memory_space<vmem_shared>>)
      } else {
      }
      %add3A_106 = arith.constant 1 : i32
      %add3A_107 = arith.addi %add3A_80, %add3A_106 : i32
      %lt3A_108 = arith.constant 81 : i32
      %lt3A_109 = arith.cmpi slt, %add3A_107, %lt3A_108 : i32
      %add3A_110 = arith.addi %mul3A_4, %add3A_80 : i32
      %add3A_111 = arith.constant 1 : i32
      %add3A_112 = arith.addi %add3A_110, %add3A_111 : i32
      %lt3A_113 = arith.cmpi slt, %add3A_112, %min3A_7 : i32
      %and3A_114 = arith.andi %lt3A_109, %lt3A_113 : i1
      %convert_element_type3A_115 = arith.extui %and3A_114 : i1 to i32
      %cond3A_116 = arith.constant 0 : i32
      %cond3A_117 = arith.cmpi ne, %convert_element_type3A_115, %cond3A_116 : i32
      scf.if %cond3A_117 {
        %add3A_159 = arith.constant 1 : i32
        %add3A_160 = arith.addi %add3A_80, %add3A_159 : i32
        %add3A_161 = arith.addi %mul3A_4, %add3A_160 : i32
        %dma_start3A_162 = arith.constant 0 : i32
        %dma_start3A_163 = tpu.memref_slice %arg3[%add3A_161, %dma_start3A_162] : memref<2592x256xi32, #tpu.memory_space<hbm>> -> memref<1x256xi32, #tpu.memory_space<hbm>>
        %dma_start3A_164 = tpu.memref_squeeze %dma_start3A_163 : memref<1x256xi32, #tpu.memory_space<hbm>> -> memref<256xi32, #tpu.memory_space<hbm>>
        %dma_start3A_165 = arith.constant 0 : i32
        %dma_start3A_166 = tpu.memref_slice %arg3[%add3A_161, %dma_start3A_165] : memref<2592x256xi32, #tpu.memory_space<hbm>> -> memref<1x256xi32, #tpu.memory_space<hbm>>
        %dma_start3A_167 = tpu.memref_squeeze %dma_start3A_166 : memref<1x256xi32, #tpu.memory_space<hbm>> -> memref<256xi32, #tpu.memory_space<hbm>>
        tpu.enqueue_dma source(%dma_start3A_167 : memref<256xi32, #tpu.memory_space<hbm>>) target(%arg8 : memref<256xi32, #tpu.memory_space<vmem>>) target_semaphore(%arg15 : memref<!tpu.dma_semaphore, #tpu.memory_space<semaphore_mem>>)
      } else {
      }
      %mul3A_118 = arith.constant 3 : i32
      %mul3A_119 = arith.muli %scan3A_36, %mul3A_118 : i32
      %add3A_120 = arith.constant 2 : i32
      %add3A_121 = arith.addi %mul3A_119, %add3A_120 : i32
      %add3A_122 = arith.addi %mul3A_4, %add3A_121 : i32
      %lt3A_123 = arith.cmpi slt, %add3A_122, %min3A_7 : i32
      %convert_element_type3A_124 = arith.extui %lt3A_123 : i1 to i32
      %cond3A_125 = arith.constant 0 : i32
      %cond3A_126 = arith.cmpi ne, %convert_element_type3A_124, %cond3A_125 : i32
      scf.if %cond3A_126 {
        %add3A_159 = arith.addi %mul3A_4, %add3A_121 : i32
        %dma_wait3A_160 = arith.constant 0 : i32
        %dma_wait3A_161 = tpu.memref_slice %arg3[%add3A_159, %dma_wait3A_160] : memref<2592x256xi32, #tpu.memory_space<hbm>> -> memref<1x256xi32, #tpu.memory_space<hbm>>
        %dma_wait3A_162 = tpu.memref_squeeze %dma_wait3A_161 : memref<1x256xi32, #tpu.memory_space<hbm>> -> memref<256xi32, #tpu.memory_space<hbm>>
        %dma_wait3A_163 = arith.constant 0 : i32
        %dma_wait3A_164 = tpu.memref_slice %arg3[%add3A_159, %dma_wait3A_163] : memref<2592x256xi32, #tpu.memory_space<hbm>> -> memref<1x256xi32, #tpu.memory_space<hbm>>
        %dma_wait3A_165 = tpu.memref_squeeze %dma_wait3A_164 : memref<1x256xi32, #tpu.memory_space<hbm>> -> memref<256xi32, #tpu.memory_space<hbm>>
        tpu.wait_dma2 semaphore(%arg15 : memref<!tpu.dma_semaphore, #tpu.memory_space<semaphore_mem>>) src(%dma_wait3A_165 : memref<256xi32, #tpu.memory_space<hbm>>) dst(%arg8 : memref<256xi32, #tpu.memory_space<vmem>>)
        %dma_start3A_166 = arith.constant 0 : i32
        %dma_start3A_167 = tpu.memref_slice %arg8[%dma_start3A_166] : memref<256xi32, #tpu.memory_space<vmem>> -> memref<128xi32, #tpu.memory_space<vmem>>
        %dma_start3A_168 = arith.constant 0 : i32
        %dma_start3A_169 = arith.constant 0 : i32
        %dma_start3A_170 = tpu.memref_slice %arg2[%dma_start3A_168, %dma_start3A_169] : memref<10112x128xf32, #tpu.memory_space<hbm>> -> memref<10112x128xf32, #tpu.memory_space<hbm>>
        tpu.enqueue_indirect_dma source(%dma_start3A_170 : memref<10112x128xf32, #tpu.memory_space<hbm>>) target(%arg11 : memref<128x128xf32, #tpu.memory_space<vmem>>) offsets(%dma_start3A_167 : memref<128xi32, #tpu.memory_space<vmem>>) semaphore(%arg18 : memref<!tpu.dma_semaphore, #tpu.memory_space<semaphore_mem>>)
      } else {
      }
      %ge3A_127 = arith.constant 1 : i32
      %ge3A_128 = arith.cmpi sge, %add3A_121, %ge3A_127 : i32
      %add3A_129 = arith.addi %mul3A_4, %add3A_121 : i32
      %sub3A_130 = arith.constant 1 : i32
      %sub3A_131 = arith.subi %add3A_129, %sub3A_130 : i32
      %lt3A_132 = arith.cmpi slt, %sub3A_131, %min3A_7 : i32
      %and3A_133 = arith.andi %ge3A_128, %lt3A_132 : i1
      %convert_element_type3A_134 = arith.extui %and3A_133 : i1 to i32
      %cond3A_135 = arith.constant 0 : i32
      %cond3A_136 = arith.cmpi ne, %convert_element_type3A_134, %cond3A_135 : i32
      scf.if %cond3A_136 {
        %dma_wait3A_159 = arith.constant 0 : i32
        %dma_wait3A_160 = tpu.memref_slice %arg7[%dma_wait3A_159] : memref<256xi32, #tpu.memory_space<vmem>> -> memref<128xi32, #tpu.memory_space<vmem>>
        %dma_wait3A_161 = arith.constant 0 : i32
        %dma_wait3A_162 = arith.constant 0 : i32
        %dma_wait3A_163 = tpu.memref_slice %arg2[%dma_wait3A_161, %dma_wait3A_162] : memref<10112x128xf32, #tpu.memory_space<hbm>> -> memref<10112x128xf32, #tpu.memory_space<hbm>>
        tpu.wait_indirect_dma semaphore(%arg17 : memref<!tpu.dma_semaphore, #tpu.memory_space<semaphore_mem>>) src(%dma_wait3A_163 : memref<10112x128xf32, #tpu.memory_space<hbm>>) dst(%arg10 : memref<128x128xf32, #tpu.memory_space<vmem>>)
        %dma_start3A_164 = arith.constant 128 : i32
        %dma_start3A_165 = tpu.memref_slice %arg7[%dma_start3A_164] : memref<256xi32, #tpu.memory_space<vmem>> -> memref<128xi32, #tpu.memory_space<vmem>>
        %dma_start3A_166 = arith.constant 0 : i32
        %dma_start3A_167 = arith.constant 0 : i32
        %dma_start3A_168 = tpu.memref_slice %arg12[%dma_start3A_166, %dma_start3A_167] : memref<10112x128xf32, #tpu.memory_space<vmem_shared>> -> memref<10112x128xf32, #tpu.memory_space<vmem_shared>>
        tpu.enqueue_indirect_dma source(%arg10 : memref<128x128xf32, #tpu.memory_space<vmem>>) target(%dma_start3A_168 : memref<10112x128xf32, #tpu.memory_space<vmem_shared>>) offsets(%dma_start3A_165 : memref<128xi32, #tpu.memory_space<vmem>>) semaphore(%arg20 : memref<!tpu.dma_semaphore, #tpu.memory_space<semaphore_mem>>) {add = true}
      } else {
      }
      %ge3A_137 = arith.constant 2 : i32
      %ge3A_138 = arith.cmpi sge, %add3A_121, %ge3A_137 : i32
      %add3A_139 = arith.addi %mul3A_4, %add3A_121 : i32
      %sub3A_140 = arith.constant 2 : i32
      %sub3A_141 = arith.subi %add3A_139, %sub3A_140 : i32
      %lt3A_142 = arith.cmpi slt, %sub3A_141, %min3A_7 : i32
      %and3A_143 = arith.andi %ge3A_138, %lt3A_142 : i1
      %convert_element_type3A_144 = arith.extui %and3A_143 : i1 to i32
      %cond3A_145 = arith.constant 0 : i32
      %cond3A_146 = arith.cmpi ne, %convert_element_type3A_144, %cond3A_145 : i32
      scf.if %cond3A_146 {
        %dma_wait3A_159 = arith.constant 128 : i32
        %dma_wait3A_160 = tpu.memref_slice %arg6[%dma_wait3A_159] : memref<256xi32, #tpu.memory_space<vmem>> -> memref<128xi32, #tpu.memory_space<vmem>>
        %dma_wait3A_161 = arith.constant 0 : i32
        %dma_wait3A_162 = arith.constant 0 : i32
        %dma_wait3A_163 = tpu.memref_slice %arg12[%dma_wait3A_161, %dma_wait3A_162] : memref<10112x128xf32, #tpu.memory_space<vmem_shared>> -> memref<10112x128xf32, #tpu.memory_space<vmem_shared>>
        tpu.wait_indirect_dma semaphore(%arg19 : memref<!tpu.dma_semaphore, #tpu.memory_space<semaphore_mem>>) src(%arg9 : memref<128x128xf32, #tpu.memory_space<vmem>>) dst(%dma_wait3A_163 : memref<10112x128xf32, #tpu.memory_space<vmem_shared>>)
      } else {
      }
      %add3A_147 = arith.constant 1 : i32
      %add3A_148 = arith.addi %add3A_121, %add3A_147 : i32
      %lt3A_149 = arith.constant 81 : i32
      %lt3A_150 = arith.cmpi slt, %add3A_148, %lt3A_149 : i32
      %add3A_151 = arith.addi %mul3A_4, %add3A_121 : i32
      %add3A_152 = arith.constant 1 : i32
      %add3A_153 = arith.addi %add3A_151, %add3A_152 : i32
      %lt3A_154 = arith.cmpi slt, %add3A_153, %min3A_7 : i32
      %and3A_155 = arith.andi %lt3A_150, %lt3A_154 : i1
      %convert_element_type3A_156 = arith.extui %and3A_155 : i1 to i32
      %cond3A_157 = arith.constant 0 : i32
      %cond3A_158 = arith.cmpi ne, %convert_element_type3A_156, %cond3A_157 : i32
      scf.if %cond3A_158 {
        %add3A_159 = arith.constant 1 : i32
        %add3A_160 = arith.addi %add3A_121, %add3A_159 : i32
        %add3A_161 = arith.addi %mul3A_4, %add3A_160 : i32
        %dma_start3A_162 = arith.constant 0 : i32
        %dma_start3A_163 = tpu.memref_slice %arg3[%add3A_161, %dma_start3A_162] : memref<2592x256xi32, #tpu.memory_space<hbm>> -> memref<1x256xi32, #tpu.memory_space<hbm>>
        %dma_start3A_164 = tpu.memref_squeeze %dma_start3A_163 : memref<1x256xi32, #tpu.memory_space<hbm>> -> memref<256xi32, #tpu.memory_space<hbm>>
        %dma_start3A_165 = arith.constant 0 : i32
        %dma_start3A_166 = tpu.memref_slice %arg3[%add3A_161, %dma_start3A_165] : memref<2592x256xi32, #tpu.memory_space<hbm>> -> memref<1x256xi32, #tpu.memory_space<hbm>>
        %dma_start3A_167 = tpu.memref_squeeze %dma_start3A_166 : memref<1x256xi32, #tpu.memory_space<hbm>> -> memref<256xi32, #tpu.memory_space<hbm>>
        tpu.enqueue_dma source(%dma_start3A_167 : memref<256xi32, #tpu.memory_space<hbm>>) target(%arg6 : memref<256xi32, #tpu.memory_space<vmem>>) target_semaphore(%arg13 : memref<!tpu.dma_semaphore, #tpu.memory_space<semaphore_mem>>)
      } else {
      }
    }
    %scan3A_14 = arith.constant 27 : i32
    %add3A_15 = arith.constant 80 : i32
    %add3A_16 = arith.addi %mul3A_4, %add3A_15 : i32
    %lt3A_17 = arith.cmpi slt, %add3A_16, %min3A_7 : i32
    %convert_element_type3A_18 = arith.extui %lt3A_17 : i1 to i32
    %cond3A_19 = arith.constant 0 : i32
    %cond3A_20 = arith.cmpi ne, %convert_element_type3A_18, %cond3A_19 : i32
    scf.if %cond3A_20 {
      %dma_wait3A_36 = arith.constant 0 : i32
      %dma_wait3A_37 = tpu.memref_slice %arg8[%dma_wait3A_36] : memref<256xi32, #tpu.memory_space<vmem>> -> memref<128xi32, #tpu.memory_space<vmem>>
      %dma_wait3A_38 = arith.constant 0 : i32
      %dma_wait3A_39 = arith.constant 0 : i32
      %dma_wait3A_40 = tpu.memref_slice %arg2[%dma_wait3A_38, %dma_wait3A_39] : memref<10112x128xf32, #tpu.memory_space<hbm>> -> memref<10112x128xf32, #tpu.memory_space<hbm>>
      tpu.wait_indirect_dma semaphore(%arg18 : memref<!tpu.dma_semaphore, #tpu.memory_space<semaphore_mem>>) src(%dma_wait3A_40 : memref<10112x128xf32, #tpu.memory_space<hbm>>) dst(%arg11 : memref<128x128xf32, #tpu.memory_space<vmem>>)
      %dma_start3A_41 = arith.constant 128 : i32
      %dma_start3A_42 = tpu.memref_slice %arg8[%dma_start3A_41] : memref<256xi32, #tpu.memory_space<vmem>> -> memref<128xi32, #tpu.memory_space<vmem>>
      %dma_start3A_43 = arith.constant 0 : i32
      %dma_start3A_44 = arith.constant 0 : i32
      %dma_start3A_45 = tpu.memref_slice %arg12[%dma_start3A_43, %dma_start3A_44] : memref<10112x128xf32, #tpu.memory_space<vmem_shared>> -> memref<10112x128xf32, #tpu.memory_space<vmem_shared>>
      tpu.enqueue_indirect_dma source(%arg11 : memref<128x128xf32, #tpu.memory_space<vmem>>) target(%dma_start3A_45 : memref<10112x128xf32, #tpu.memory_space<vmem_shared>>) offsets(%dma_start3A_42 : memref<128xi32, #tpu.memory_space<vmem>>) semaphore(%arg21 : memref<!tpu.dma_semaphore, #tpu.memory_space<semaphore_mem>>) {add = true}
    } else {
    }
    %add3A_21 = arith.constant 80 : i32
    %add3A_22 = arith.addi %mul3A_4, %add3A_21 : i32
    %sub3A = arith.constant 1 : i32
    %sub3A_23 = arith.subi %add3A_22, %sub3A : i32
    %lt3A_24 = arith.cmpi slt, %sub3A_23, %min3A_7 : i32
    %and3A = arith.constant true
    %and3A_25 = arith.andi %and3A, %lt3A_24 : i1
    %convert_element_type3A_26 = arith.extui %and3A_25 : i1 to i32
    %cond3A_27 = arith.constant 0 : i32
    %cond3A_28 = arith.cmpi ne, %convert_element_type3A_26, %cond3A_27 : i32
    scf.if %cond3A_28 {
      %dma_wait3A_36 = arith.constant 128 : i32
      %dma_wait3A_37 = tpu.memref_slice %arg7[%dma_wait3A_36] : memref<256xi32, #tpu.memory_space<vmem>> -> memref<128xi32, #tpu.memory_space<vmem>>
      %dma_wait3A_38 = arith.constant 0 : i32
      %dma_wait3A_39 = arith.constant 0 : i32
      %dma_wait3A_40 = tpu.memref_slice %arg12[%dma_wait3A_38, %dma_wait3A_39] : memref<10112x128xf32, #tpu.memory_space<vmem_shared>> -> memref<10112x128xf32, #tpu.memory_space<vmem_shared>>
      tpu.wait_indirect_dma semaphore(%arg20 : memref<!tpu.dma_semaphore, #tpu.memory_space<semaphore_mem>>) src(%arg10 : memref<128x128xf32, #tpu.memory_space<vmem>>) dst(%dma_wait3A_40 : memref<10112x128xf32, #tpu.memory_space<vmem_shared>>)
    } else {
    }
    %add3A_29 = arith.constant 80 : i32
    %add3A_30 = arith.addi %mul3A_4, %add3A_29 : i32
    %lt3A_31 = arith.cmpi slt, %add3A_30, %min3A_7 : i32
    %convert_element_type3A_32 = arith.extui %lt3A_31 : i1 to i32
    %cond3A_33 = arith.constant 0 : i32
    %cond3A_34 = arith.cmpi ne, %convert_element_type3A_32, %cond3A_33 : i32
    scf.if %cond3A_34 {
      %dma_wait3A_36 = arith.constant 128 : i32
      %dma_wait3A_37 = tpu.memref_slice %arg8[%dma_wait3A_36] : memref<256xi32, #tpu.memory_space<vmem>> -> memref<128xi32, #tpu.memory_space<vmem>>
      %dma_wait3A_38 = arith.constant 0 : i32
      %dma_wait3A_39 = arith.constant 0 : i32
      %dma_wait3A_40 = tpu.memref_slice %arg12[%dma_wait3A_38, %dma_wait3A_39] : memref<10112x128xf32, #tpu.memory_space<vmem_shared>> -> memref<10112x128xf32, #tpu.memory_space<vmem_shared>>
      tpu.wait_indirect_dma semaphore(%arg21 : memref<!tpu.dma_semaphore, #tpu.memory_space<semaphore_mem>>) src(%arg11 : memref<128x128xf32, #tpu.memory_space<vmem>>) dst(%dma_wait3A_40 : memref<10112x128xf32, #tpu.memory_space<vmem_shared>>)
    } else {
    }
    %barrier3A_35 = arith.constant 0 : index
    tpu.barrier barrier_id(%barrier3A_35)
    "tpu.region"() ({
      %run_scoped3A = tpu.sem_alloc : memref<!tpu.dma_semaphore, #tpu.memory_space<semaphore_mem>>
      %dma_start3A_36 = arith.constant 0 : i32
      %dma_start3A_37 = tpu.memref_slice %arg5[%arg0, %mul3A_2, %dma_start3A_36] : memref<2x10112x128xf32, #tpu.memory_space<hbm>> -> memref<1x632x128xf32, #tpu.memory_space<hbm>>
      %dma_start3A_38 = tpu.memref_squeeze %dma_start3A_37 : memref<1x632x128xf32, #tpu.memory_space<hbm>> -> memref<632x128xf32, #tpu.memory_space<hbm>>
      %dma_start3A_39 = arith.constant 0 : i32
      %dma_start3A_40 = tpu.memref_slice %arg12[%mul3A_2, %dma_start3A_39] : memref<10112x128xf32, #tpu.memory_space<vmem_shared>> -> memref<632x128xf32, #tpu.memory_space<vmem_shared>>
      tpu.enqueue_dma source(%dma_start3A_40 : memref<632x128xf32, #tpu.memory_space<vmem_shared>>) target(%dma_start3A_38 : memref<632x128xf32, #tpu.memory_space<hbm>>) target_semaphore(%run_scoped3A : memref<!tpu.dma_semaphore, #tpu.memory_space<semaphore_mem>>)
      %dma_wait3A_41 = arith.constant 0 : i32
      %dma_wait3A_42 = tpu.memref_slice %arg5[%arg0, %mul3A_2, %dma_wait3A_41] : memref<2x10112x128xf32, #tpu.memory_space<hbm>> -> memref<1x632x128xf32, #tpu.memory_space<hbm>>
      %dma_wait3A_43 = tpu.memref_squeeze %dma_wait3A_42 : memref<1x632x128xf32, #tpu.memory_space<hbm>> -> memref<632x128xf32, #tpu.memory_space<hbm>>
      %dma_wait3A_44 = arith.constant 0 : i32
      %dma_wait3A_45 = tpu.memref_slice %arg12[%mul3A_2, %dma_wait3A_44] : memref<10112x128xf32, #tpu.memory_space<vmem_shared>> -> memref<632x128xf32, #tpu.memory_space<vmem_shared>>
      tpu.wait_dma2 semaphore(%run_scoped3A : memref<!tpu.dma_semaphore, #tpu.memory_space<semaphore_mem>>) src(%dma_wait3A_45 : memref<632x128xf32, #tpu.memory_space<vmem_shared>>) dst(%dma_wait3A_43 : memref<632x128xf32, #tpu.memory_space<hbm>>)
      tpu.yield
    }) : () -> ()
    return
  }
}

#map = affine_map<(d0, d1) -> (0, 0)>
#map1 = affine_map<(d0, d1) -> (0, 0, 0)>
module attributes {stable_mosaic.version = 14 : i64} {
  func.func @agg_kernel(%arg0: i32, %arg1: i32, %arg2: memref<10112x128xf32, #tpu.memory_space<hbm>>, %arg3: memref<2592x256xi32, #tpu.memory_space<hbm>>, %arg4: memref<632x128xf32, #tpu.memory_space<hbm>>, %arg5: memref<2x10112x128xf32, #tpu.memory_space<hbm>>, %arg6: memref<256xi32, #tpu.memory_space<vmem>>, %arg7: memref<256xi32, #tpu.memory_space<vmem>>, %arg8: memref<256xi32, #tpu.memory_space<vmem>>, %arg9: memref<128x128xf32, #tpu.memory_space<vmem>>, %arg10: memref<128x128xf32, #tpu.memory_space<vmem>>, %arg11: memref<128x128xf32, #tpu.memory_space<vmem>>, %arg12: memref<10112x128xf32, #tpu.memory_space<vmem_shared>>, %arg13: memref<!tpu.dma_semaphore, #tpu.memory_space<semaphore_mem>>, %arg14: memref<!tpu.dma_semaphore, #tpu.memory_space<semaphore_mem>>, %arg15: memref<!tpu.dma_semaphore, #tpu.memory_space<semaphore_mem>>, %arg16: memref<!tpu.dma_semaphore, #tpu.memory_space<semaphore_mem>>, %arg17: memref<!tpu.dma_semaphore, #tpu.memory_space<semaphore_mem>>, %arg18: memref<!tpu.dma_semaphore, #tpu.memory_space<semaphore_mem>>, %arg19: memref<!tpu.dma_semaphore, #tpu.memory_space<semaphore_mem>>, %arg20: memref<!tpu.dma_semaphore, #tpu.memory_space<semaphore_mem>>, %arg21: memref<!tpu.dma_semaphore, #tpu.memory_space<semaphore_mem>>, %arg22: memref<!tpu.dma_semaphore, #tpu.memory_space<semaphore_mem>>) attributes {dimension_semantics = [#tpu.dimension_semantics<core_parallel>, #tpu.dimension_semantics<subcore_parallel>], iteration_bounds = array<i64: 2, 16>, scalar_prefetch = 0 : i64, scratch_operands = 17 : i64, tpu.core_type = #tpu.core_type<sc_vector_subcore>, window_params = [{transform_indices = #map}, {transform_indices = #map}, {transform_indices = #map}, {transform_indices = #map1}]} {
    %mul3A = arith.constant 2 : i32
    %mul3A_0 = arith.muli %arg1, %mul3A : i32
    %add3A = arith.addi %mul3A_0, %arg0 : i32
    %mul3A_1 = arith.constant 632 : i32
    %mul3A_2 = arith.muli %arg1, %mul3A_1 : i32
    %mul3A_3 = arith.constant 81 : i32
    %mul3A_4 = arith.muli %add3A, %mul3A_3 : i32
    %add3A_5 = arith.constant 81 : i32
    %add3A_6 = arith.addi %mul3A_4, %add3A_5 : i32
    %min3A = arith.constant 2500 : i32
    %min3A_7 = arith.minsi %add3A_6, %min3A : i32
    %dma_start3A = arith.constant 0 : i32
    %dma_start3A_8 = tpu.memref_slice %arg12[%mul3A_2, %dma_start3A] : memref<10112x128xf32, #tpu.memory_space<vmem_shared>> -> memref<632x128xf32, #tpu.memory_space<vmem_shared>>
    tpu.enqueue_dma source(%arg4 : memref<632x128xf32, #tpu.memory_space<hbm>>) target(%dma_start3A_8 : memref<632x128xf32, #tpu.memory_space<vmem_shared>>) target_semaphore(%arg22 : memref<!tpu.dma_semaphore, #tpu.memory_space<semaphore_mem>>)
    %lt3A = arith.cmpi slt, %mul3A_4, %min3A_7 : i32
    %convert_element_type3A = arith.extui %lt3A : i1 to i32
    %cond3A = arith.constant 0 : i32
    %cond3A_9 = arith.cmpi ne, %convert_element_type3A, %cond3A : i32
    scf.if %cond3A_9 {
      %add3A_36 = arith.constant 0 : i32
      %add3A_37 = arith.addi %mul3A_4, %add3A_36 : i32
      %dma_start3A_38 = arith.constant 0 : i32
      %dma_start3A_39 = tpu.memref_slice %arg3[%add3A_37, %dma_start3A_38] : memref<2592x256xi32, #tpu.memory_space<hbm>> -> memref<1x256xi32, #tpu.memory_space<hbm>>
      %dma_start3A_40 = tpu.memref_squeeze %dma_start3A_39 : memref<1x256xi32, #tpu.memory_space<hbm>> -> memref<256xi32, #tpu.memory_space<hbm>>
      %dma_start3A_41 = arith.constant 0 : i32
      %dma_start3A_42 = tpu.memref_slice %arg3[%add3A_37, %dma_start3A_41] : memref<2592x256xi32, #tpu.memory_space<hbm>> -> memref<1x256xi32, #tpu.memory_space<hbm>>
      %dma_start3A_43 = tpu.memref_squeeze %dma_start3A_42 : memref<1x256xi32, #tpu.memory_space<hbm>> -> memref<256xi32, #tpu.memory_space<hbm>>
      tpu.enqueue_dma source(%dma_start3A_43 : memref<256xi32, #tpu.memory_space<hbm>>) target(%arg6 : memref<256xi32, #tpu.memory_space<vmem>>) target_semaphore(%arg13 : memref<!tpu.dma_semaphore, #tpu.memory_space<semaphore_mem>>)
    } else {
    }
    %dma_wait3A = arith.constant 0 : i32
    %dma_wait3A_10 = tpu.memref_slice %arg12[%mul3A_2, %dma_wait3A] : memref<10112x128xf32, #tpu.memory_space<vmem_shared>> -> memref<632x128xf32, #tpu.memory_space<vmem_shared>>
    tpu.wait_dma2 semaphore(%arg22 : memref<!tpu.dma_semaphore, #tpu.memory_space<semaphore_mem>>) src(%arg4 : memref<632x128xf32, #tpu.memory_space<hbm>>) dst(%dma_wait3A_10 : memref<632x128xf32, #tpu.memory_space<vmem_shared>>)
    %barrier3A = arith.constant 0 : index
    tpu.barrier barrier_id(%barrier3A)
    %scan3A = arith.constant 0 : i32
    %scan3A_11 = arith.constant 27 : i32
    %scan3A_12 = arith.addi %scan3A, %scan3A_11 : i32
    %scan3A_13 = arith.constant 1 : i32
    scf.for %scan3A_36 = %scan3A to %scan3A_12 step %scan3A_13  : i32 {
      %mul3A_37 = arith.constant 3 : i32
      %mul3A_38 = arith.muli %scan3A_36, %mul3A_37 : i32
      %add3A_39 = arith.constant 0 : i32
      %add3A_40 = arith.addi %mul3A_38, %add3A_39 : i32
      %add3A_41 = arith.addi %mul3A_4, %add3A_40 : i32
      %lt3A_42 = arith.cmpi slt, %add3A_41, %min3A_7 : i32
      %convert_element_type3A_43 = arith.extui %lt3A_42 : i1 to i32
      %cond3A_44 = arith.constant 0 : i32
      %cond3A_45 = arith.cmpi ne, %convert_element_type3A_43, %cond3A_44 : i32
      scf.if %cond3A_45 {
        %add3A_159 = arith.addi %mul3A_4, %add3A_40 : i32
        %dma_wait3A_160 = arith.constant 0 : i32
        %dma_wait3A_161 = tpu.memref_slice %arg3[%add3A_159, %dma_wait3A_160] : memref<2592x256xi32, #tpu.memory_space<hbm>> -> memref<1x256xi32, #tpu.memory_space<hbm>>
        %dma_wait3A_162 = tpu.memref_squeeze %dma_wait3A_161 : memref<1x256xi32, #tpu.memory_space<hbm>> -> memref<256xi32, #tpu.memory_space<hbm>>
        %dma_wait3A_163 = arith.constant 0 : i32
        %dma_wait3A_164 = tpu.memref_slice %arg3[%add3A_159, %dma_wait3A_163] : memref<2592x256xi32, #tpu.memory_space<hbm>> -> memref<1x256xi32, #tpu.memory_space<hbm>>
        %dma_wait3A_165 = tpu.memref_squeeze %dma_wait3A_164 : memref<1x256xi32, #tpu.memory_space<hbm>> -> memref<256xi32, #tpu.memory_space<hbm>>
        tpu.wait_dma2 semaphore(%arg13 : memref<!tpu.dma_semaphore, #tpu.memory_space<semaphore_mem>>) src(%dma_wait3A_165 : memref<256xi32, #tpu.memory_space<hbm>>) dst(%arg6 : memref<256xi32, #tpu.memory_space<vmem>>)
        %dma_start3A_166 = arith.constant 0 : i32
        %dma_start3A_167 = tpu.memref_slice %arg6[%dma_start3A_166] : memref<256xi32, #tpu.memory_space<vmem>> -> memref<128xi32, #tpu.memory_space<vmem>>
        %dma_start3A_168 = arith.constant 0 : i32
        %dma_start3A_169 = arith.constant 0 : i32
        %dma_start3A_170 = tpu.memref_slice %arg2[%dma_start3A_168, %dma_start3A_169] : memref<10112x128xf32, #tpu.memory_space<hbm>> -> memref<10112x128xf32, #tpu.memory_space<hbm>>
        tpu.enqueue_indirect_dma source(%dma_start3A_170 : memref<10112x128xf32, #tpu.memory_space<hbm>>) target(%arg9 : memref<128x128xf32, #tpu.memory_space<vmem>>) offsets(%dma_start3A_167 : memref<128xi32, #tpu.memory_space<vmem>>) semaphore(%arg16 : memref<!tpu.dma_semaphore, #tpu.memory_space<semaphore_mem>>)
      } else {
      }
      %ge3A = arith.constant 1 : i32
      %ge3A_46 = arith.cmpi sge, %add3A_40, %ge3A : i32
      %add3A_47 = arith.addi %mul3A_4, %add3A_40 : i32
      %sub3A_48 = arith.constant 1 : i32
      %sub3A_49 = arith.subi %add3A_47, %sub3A_48 : i32
      %lt3A_50 = arith.cmpi slt, %sub3A_49, %min3A_7 : i32
      %and3A_51 = arith.andi %ge3A_46, %lt3A_50 : i1
      %convert_element_type3A_52 = arith.extui %and3A_51 : i1 to i32
      %cond3A_53 = arith.constant 0 : i32
      %cond3A_54 = arith.cmpi ne, %convert_element_type3A_52, %cond3A_53 : i32
      scf.if %cond3A_54 {
        %dma_wait3A_159 = arith.constant 0 : i32
        %dma_wait3A_160 = tpu.memref_slice %arg8[%dma_wait3A_159] : memref<256xi32, #tpu.memory_space<vmem>> -> memref<128xi32, #tpu.memory_space<vmem>>
        %dma_wait3A_161 = arith.constant 0 : i32
        %dma_wait3A_162 = arith.constant 0 : i32
        %dma_wait3A_163 = tpu.memref_slice %arg2[%dma_wait3A_161, %dma_wait3A_162] : memref<10112x128xf32, #tpu.memory_space<hbm>> -> memref<10112x128xf32, #tpu.memory_space<hbm>>
        tpu.wait_indirect_dma semaphore(%arg18 : memref<!tpu.dma_semaphore, #tpu.memory_space<semaphore_mem>>) src(%dma_wait3A_163 : memref<10112x128xf32, #tpu.memory_space<hbm>>) dst(%arg11 : memref<128x128xf32, #tpu.memory_space<vmem>>)
        %dma_start3A_164 = arith.constant 128 : i32
        %dma_start3A_165 = tpu.memref_slice %arg8[%dma_start3A_164] : memref<256xi32, #tpu.memory_space<vmem>> -> memref<128xi32, #tpu.memory_space<vmem>>
        %dma_start3A_166 = arith.constant 0 : i32
        %dma_start3A_167 = arith.constant 0 : i32
        %dma_start3A_168 = tpu.memref_slice %arg12[%dma_start3A_166, %dma_start3A_167] : memref<10112x128xf32, #tpu.memory_space<vmem_shared>> -> memref<10112x128xf32, #tpu.memory_space<vmem_shared>>
        tpu.enqueue_indirect_dma source(%arg11 : memref<128x128xf32, #tpu.memory_space<vmem>>) target(%dma_start3A_168 : memref<10112x128xf32, #tpu.memory_space<vmem_shared>>) offsets(%dma_start3A_165 : memref<128xi32, #tpu.memory_space<vmem>>) semaphore(%arg21 : memref<!tpu.dma_semaphore, #tpu.memory_space<semaphore_mem>>) {add = true}
      } else {
      }
      %ge3A_55 = arith.constant 2 : i32
      %ge3A_56 = arith.cmpi sge, %add3A_40, %ge3A_55 : i32
      %add3A_57 = arith.addi %mul3A_4, %add3A_40 : i32
      %sub3A_58 = arith.constant 2 : i32
      %sub3A_59 = arith.subi %add3A_57, %sub3A_58 : i32
      %lt3A_60 = arith.cmpi slt, %sub3A_59, %min3A_7 : i32
      %and3A_61 = arith.andi %ge3A_56, %lt3A_60 : i1
      %convert_element_type3A_62 = arith.extui %and3A_61 : i1 to i32
      %cond3A_63 = arith.constant 0 : i32
      %cond3A_64 = arith.cmpi ne, %convert_element_type3A_62, %cond3A_63 : i32
      scf.if %cond3A_64 {
        %dma_wait3A_159 = arith.constant 128 : i32
        %dma_wait3A_160 = tpu.memref_slice %arg7[%dma_wait3A_159] : memref<256xi32, #tpu.memory_space<vmem>> -> memref<128xi32, #tpu.memory_space<vmem>>
        %dma_wait3A_161 = arith.constant 0 : i32
        %dma_wait3A_162 = arith.constant 0 : i32
        %dma_wait3A_163 = tpu.memref_slice %arg12[%dma_wait3A_161, %dma_wait3A_162] : memref<10112x128xf32, #tpu.memory_space<vmem_shared>> -> memref<10112x128xf32, #tpu.memory_space<vmem_shared>>
        tpu.wait_indirect_dma semaphore(%arg20 : memref<!tpu.dma_semaphore, #tpu.memory_space<semaphore_mem>>) src(%arg10 : memref<128x128xf32, #tpu.memory_space<vmem>>) dst(%dma_wait3A_163 : memref<10112x128xf32, #tpu.memory_space<vmem_shared>>)
      } else {
      }
      %add3A_65 = arith.constant 1 : i32
      %add3A_66 = arith.addi %add3A_40, %add3A_65 : i32
      %lt3A_67 = arith.constant 81 : i32
      %lt3A_68 = arith.cmpi slt, %add3A_66, %lt3A_67 : i32
      %add3A_69 = arith.addi %mul3A_4, %add3A_40 : i32
      %add3A_70 = arith.constant 1 : i32
      %add3A_71 = arith.addi %add3A_69, %add3A_70 : i32
      %lt3A_72 = arith.cmpi slt, %add3A_71, %min3A_7 : i32
      %and3A_73 = arith.andi %lt3A_68, %lt3A_72 : i1
      %convert_element_type3A_74 = arith.extui %and3A_73 : i1 to i32
      %cond3A_75 = arith.constant 0 : i32
      %cond3A_76 = arith.cmpi ne, %convert_element_type3A_74, %cond3A_75 : i32
      scf.if %cond3A_76 {
        %add3A_159 = arith.constant 1 : i32
        %add3A_160 = arith.addi %add3A_40, %add3A_159 : i32
        %add3A_161 = arith.addi %mul3A_4, %add3A_160 : i32
        %dma_start3A_162 = arith.constant 0 : i32
        %dma_start3A_163 = tpu.memref_slice %arg3[%add3A_161, %dma_start3A_162] : memref<2592x256xi32, #tpu.memory_space<hbm>> -> memref<1x256xi32, #tpu.memory_space<hbm>>
        %dma_start3A_164 = tpu.memref_squeeze %dma_start3A_163 : memref<1x256xi32, #tpu.memory_space<hbm>> -> memref<256xi32, #tpu.memory_space<hbm>>
        %dma_start3A_165 = arith.constant 0 : i32
        %dma_start3A_166 = tpu.memref_slice %arg3[%add3A_161, %dma_start3A_165] : memref<2592x256xi32, #tpu.memory_space<hbm>> -> memref<1x256xi32, #tpu.memory_space<hbm>>
        %dma_start3A_167 = tpu.memref_squeeze %dma_start3A_166 : memref<1x256xi32, #tpu.memory_space<hbm>> -> memref<256xi32, #tpu.memory_space<hbm>>
        tpu.enqueue_dma source(%dma_start3A_167 : memref<256xi32, #tpu.memory_space<hbm>>) target(%arg7 : memref<256xi32, #tpu.memory_space<vmem>>) target_semaphore(%arg14 : memref<!tpu.dma_semaphore, #tpu.memory_space<semaphore_mem>>)
      } else {
      }
      %mul3A_77 = arith.constant 3 : i32
      %mul3A_78 = arith.muli %scan3A_36, %mul3A_77 : i32
      %add3A_79 = arith.constant 1 : i32
      %add3A_80 = arith.addi %mul3A_78, %add3A_79 : i32
      %add3A_81 = arith.addi %mul3A_4, %add3A_80 : i32
      %lt3A_82 = arith.cmpi slt, %add3A_81, %min3A_7 : i32
      %convert_element_type3A_83 = arith.extui %lt3A_82 : i1 to i32
      %cond3A_84 = arith.constant 0 : i32
      %cond3A_85 = arith.cmpi ne, %convert_element_type3A_83, %cond3A_84 : i32
      scf.if %cond3A_85 {
        %add3A_159 = arith.addi %mul3A_4, %add3A_80 : i32
        %dma_wait3A_160 = arith.constant 0 : i32
        %dma_wait3A_161 = tpu.memref_slice %arg3[%add3A_159, %dma_wait3A_160] : memref<2592x256xi32, #tpu.memory_space<hbm>> -> memref<1x256xi32, #tpu.memory_space<hbm>>
        %dma_wait3A_162 = tpu.memref_squeeze %dma_wait3A_161 : memref<1x256xi32, #tpu.memory_space<hbm>> -> memref<256xi32, #tpu.memory_space<hbm>>
        %dma_wait3A_163 = arith.constant 0 : i32
        %dma_wait3A_164 = tpu.memref_slice %arg3[%add3A_159, %dma_wait3A_163] : memref<2592x256xi32, #tpu.memory_space<hbm>> -> memref<1x256xi32, #tpu.memory_space<hbm>>
        %dma_wait3A_165 = tpu.memref_squeeze %dma_wait3A_164 : memref<1x256xi32, #tpu.memory_space<hbm>> -> memref<256xi32, #tpu.memory_space<hbm>>
        tpu.wait_dma2 semaphore(%arg14 : memref<!tpu.dma_semaphore, #tpu.memory_space<semaphore_mem>>) src(%dma_wait3A_165 : memref<256xi32, #tpu.memory_space<hbm>>) dst(%arg7 : memref<256xi32, #tpu.memory_space<vmem>>)
        %dma_start3A_166 = arith.constant 0 : i32
        %dma_start3A_167 = tpu.memref_slice %arg7[%dma_start3A_166] : memref<256xi32, #tpu.memory_space<vmem>> -> memref<128xi32, #tpu.memory_space<vmem>>
        %dma_start3A_168 = arith.constant 0 : i32
        %dma_start3A_169 = arith.constant 0 : i32
        %dma_start3A_170 = tpu.memref_slice %arg2[%dma_start3A_168, %dma_start3A_169] : memref<10112x128xf32, #tpu.memory_space<hbm>> -> memref<10112x128xf32, #tpu.memory_space<hbm>>
        tpu.enqueue_indirect_dma source(%dma_start3A_170 : memref<10112x128xf32, #tpu.memory_space<hbm>>) target(%arg10 : memref<128x128xf32, #tpu.memory_space<vmem>>) offsets(%dma_start3A_167 : memref<128xi32, #tpu.memory_space<vmem>>) semaphore(%arg17 : memref<!tpu.dma_semaphore, #tpu.memory_space<semaphore_mem>>)
      } else {
      }
      %ge3A_86 = arith.constant 1 : i32
      %ge3A_87 = arith.cmpi sge, %add3A_80, %ge3A_86 : i32
      %add3A_88 = arith.addi %mul3A_4, %add3A_80 : i32
      %sub3A_89 = arith.constant 1 : i32
      %sub3A_90 = arith.subi %add3A_88, %sub3A_89 : i32
      %lt3A_91 = arith.cmpi slt, %sub3A_90, %min3A_7 : i32
      %and3A_92 = arith.andi %ge3A_87, %lt3A_91 : i1
      %convert_element_type3A_93 = arith.extui %and3A_92 : i1 to i32
      %cond3A_94 = arith.constant 0 : i32
      %cond3A_95 = arith.cmpi ne, %convert_element_type3A_93, %cond3A_94 : i32
      scf.if %cond3A_95 {
        %dma_wait3A_159 = arith.constant 0 : i32
        %dma_wait3A_160 = tpu.memref_slice %arg6[%dma_wait3A_159] : memref<256xi32, #tpu.memory_space<vmem>> -> memref<128xi32, #tpu.memory_space<vmem>>
        %dma_wait3A_161 = arith.constant 0 : i32
        %dma_wait3A_162 = arith.constant 0 : i32
        %dma_wait3A_163 = tpu.memref_slice %arg2[%dma_wait3A_161, %dma_wait3A_162] : memref<10112x128xf32, #tpu.memory_space<hbm>> -> memref<10112x128xf32, #tpu.memory_space<hbm>>
        tpu.wait_indirect_dma semaphore(%arg16 : memref<!tpu.dma_semaphore, #tpu.memory_space<semaphore_mem>>) src(%dma_wait3A_163 : memref<10112x128xf32, #tpu.memory_space<hbm>>) dst(%arg9 : memref<128x128xf32, #tpu.memory_space<vmem>>)
        %dma_start3A_164 = arith.constant 128 : i32
        %dma_start3A_165 = tpu.memref_slice %arg6[%dma_start3A_164] : memref<256xi32, #tpu.memory_space<vmem>> -> memref<128xi32, #tpu.memory_space<vmem>>
        %dma_start3A_166 = arith.constant 0 : i32
        %dma_start3A_167 = arith.constant 0 : i32
        %dma_start3A_168 = tpu.memref_slice %arg12[%dma_start3A_166, %dma_start3A_167] : memref<10112x128xf32, #tpu.memory_space<vmem_shared>> -> memref<10112x128xf32, #tpu.memory_space<vmem_shared>>
        tpu.enqueue_indirect_dma source(%arg9 : memref<128x128xf32, #tpu.memory_space<vmem>>) target(%dma_start3A_168 : memref<10112x128xf32, #tpu.memory_space<vmem_shared>>) offsets(%dma_start3A_165 : memref<128xi32, #tpu.memory_space<vmem>>) semaphore(%arg19 : memref<!tpu.dma_semaphore, #tpu.memory_space<semaphore_mem>>) {add = true}
      } else {
      }
      %ge3A_96 = arith.constant 2 : i32
      %ge3A_97 = arith.cmpi sge, %add3A_80, %ge3A_96 : i32
      %add3A_98 = arith.addi %mul3A_4, %add3A_80 : i32
      %sub3A_99 = arith.constant 2 : i32
      %sub3A_100 = arith.subi %add3A_98, %sub3A_99 : i32
      %lt3A_101 = arith.cmpi slt, %sub3A_100, %min3A_7 : i32
      %and3A_102 = arith.andi %ge3A_97, %lt3A_101 : i1
      %convert_element_type3A_103 = arith.extui %and3A_102 : i1 to i32
      %cond3A_104 = arith.constant 0 : i32
      %cond3A_105 = arith.cmpi ne, %convert_element_type3A_103, %cond3A_104 : i32
      scf.if %cond3A_105 {
        %dma_wait3A_159 = arith.constant 128 : i32
        %dma_wait3A_160 = tpu.memref_slice %arg8[%dma_wait3A_159] : memref<256xi32, #tpu.memory_space<vmem>> -> memref<128xi32, #tpu.memory_space<vmem>>
        %dma_wait3A_161 = arith.constant 0 : i32
        %dma_wait3A_162 = arith.constant 0 : i32
        %dma_wait3A_163 = tpu.memref_slice %arg12[%dma_wait3A_161, %dma_wait3A_162] : memref<10112x128xf32, #tpu.memory_space<vmem_shared>> -> memref<10112x128xf32, #tpu.memory_space<vmem_shared>>
        tpu.wait_indirect_dma semaphore(%arg21 : memref<!tpu.dma_semaphore, #tpu.memory_space<semaphore_mem>>) src(%arg11 : memref<128x128xf32, #tpu.memory_space<vmem>>) dst(%dma_wait3A_163 : memref<10112x128xf32, #tpu.memory_space<vmem_shared>>)
      } else {
      }
      %add3A_106 = arith.constant 1 : i32
      %add3A_107 = arith.addi %add3A_80, %add3A_106 : i32
      %lt3A_108 = arith.constant 81 : i32
      %lt3A_109 = arith.cmpi slt, %add3A_107, %lt3A_108 : i32
      %add3A_110 = arith.addi %mul3A_4, %add3A_80 : i32
      %add3A_111 = arith.constant 1 : i32
      %add3A_112 = arith.addi %add3A_110, %add3A_111 : i32
      %lt3A_113 = arith.cmpi slt, %add3A_112, %min3A_7 : i32
      %and3A_114 = arith.andi %lt3A_109, %lt3A_113 : i1
      %convert_element_type3A_115 = arith.extui %and3A_114 : i1 to i32
      %cond3A_116 = arith.constant 0 : i32
      %cond3A_117 = arith.cmpi ne, %convert_element_type3A_115, %cond3A_116 : i32
      scf.if %cond3A_117 {
        %add3A_159 = arith.constant 1 : i32
        %add3A_160 = arith.addi %add3A_80, %add3A_159 : i32
        %add3A_161 = arith.addi %mul3A_4, %add3A_160 : i32
        %dma_start3A_162 = arith.constant 0 : i32
        %dma_start3A_163 = tpu.memref_slice %arg3[%add3A_161, %dma_start3A_162] : memref<2592x256xi32, #tpu.memory_space<hbm>> -> memref<1x256xi32, #tpu.memory_space<hbm>>
        %dma_start3A_164 = tpu.memref_squeeze %dma_start3A_163 : memref<1x256xi32, #tpu.memory_space<hbm>> -> memref<256xi32, #tpu.memory_space<hbm>>
        %dma_start3A_165 = arith.constant 0 : i32
        %dma_start3A_166 = tpu.memref_slice %arg3[%add3A_161, %dma_start3A_165] : memref<2592x256xi32, #tpu.memory_space<hbm>> -> memref<1x256xi32, #tpu.memory_space<hbm>>
        %dma_start3A_167 = tpu.memref_squeeze %dma_start3A_166 : memref<1x256xi32, #tpu.memory_space<hbm>> -> memref<256xi32, #tpu.memory_space<hbm>>
        tpu.enqueue_dma source(%dma_start3A_167 : memref<256xi32, #tpu.memory_space<hbm>>) target(%arg8 : memref<256xi32, #tpu.memory_space<vmem>>) target_semaphore(%arg15 : memref<!tpu.dma_semaphore, #tpu.memory_space<semaphore_mem>>)
      } else {
      }
      %mul3A_118 = arith.constant 3 : i32
      %mul3A_119 = arith.muli %scan3A_36, %mul3A_118 : i32
      %add3A_120 = arith.constant 2 : i32
      %add3A_121 = arith.addi %mul3A_119, %add3A_120 : i32
      %add3A_122 = arith.addi %mul3A_4, %add3A_121 : i32
      %lt3A_123 = arith.cmpi slt, %add3A_122, %min3A_7 : i32
      %convert_element_type3A_124 = arith.extui %lt3A_123 : i1 to i32
      %cond3A_125 = arith.constant 0 : i32
      %cond3A_126 = arith.cmpi ne, %convert_element_type3A_124, %cond3A_125 : i32
      scf.if %cond3A_126 {
        %add3A_159 = arith.addi %mul3A_4, %add3A_121 : i32
        %dma_wait3A_160 = arith.constant 0 : i32
        %dma_wait3A_161 = tpu.memref_slice %arg3[%add3A_159, %dma_wait3A_160] : memref<2592x256xi32, #tpu.memory_space<hbm>> -> memref<1x256xi32, #tpu.memory_space<hbm>>
        %dma_wait3A_162 = tpu.memref_squeeze %dma_wait3A_161 : memref<1x256xi32, #tpu.memory_space<hbm>> -> memref<256xi32, #tpu.memory_space<hbm>>
        %dma_wait3A_163 = arith.constant 0 : i32
        %dma_wait3A_164 = tpu.memref_slice %arg3[%add3A_159, %dma_wait3A_163] : memref<2592x256xi32, #tpu.memory_space<hbm>> -> memref<1x256xi32, #tpu.memory_space<hbm>>
        %dma_wait3A_165 = tpu.memref_squeeze %dma_wait3A_164 : memref<1x256xi32, #tpu.memory_space<hbm>> -> memref<256xi32, #tpu.memory_space<hbm>>
        tpu.wait_dma2 semaphore(%arg15 : memref<!tpu.dma_semaphore, #tpu.memory_space<semaphore_mem>>) src(%dma_wait3A_165 : memref<256xi32, #tpu.memory_space<hbm>>) dst(%arg8 : memref<256xi32, #tpu.memory_space<vmem>>)
        %dma_start3A_166 = arith.constant 0 : i32
        %dma_start3A_167 = tpu.memref_slice %arg8[%dma_start3A_166] : memref<256xi32, #tpu.memory_space<vmem>> -> memref<128xi32, #tpu.memory_space<vmem>>
        %dma_start3A_168 = arith.constant 0 : i32
        %dma_start3A_169 = arith.constant 0 : i32
        %dma_start3A_170 = tpu.memref_slice %arg2[%dma_start3A_168, %dma_start3A_169] : memref<10112x128xf32, #tpu.memory_space<hbm>> -> memref<10112x128xf32, #tpu.memory_space<hbm>>
        tpu.enqueue_indirect_dma source(%dma_start3A_170 : memref<10112x128xf32, #tpu.memory_space<hbm>>) target(%arg11 : memref<128x128xf32, #tpu.memory_space<vmem>>) offsets(%dma_start3A_167 : memref<128xi32, #tpu.memory_space<vmem>>) semaphore(%arg18 : memref<!tpu.dma_semaphore, #tpu.memory_space<semaphore_mem>>)
      } else {
      }
      %ge3A_127 = arith.constant 1 : i32
      %ge3A_128 = arith.cmpi sge, %add3A_121, %ge3A_127 : i32
      %add3A_129 = arith.addi %mul3A_4, %add3A_121 : i32
      %sub3A_130 = arith.constant 1 : i32
      %sub3A_131 = arith.subi %add3A_129, %sub3A_130 : i32
      %lt3A_132 = arith.cmpi slt, %sub3A_131, %min3A_7 : i32
      %and3A_133 = arith.andi %ge3A_128, %lt3A_132 : i1
      %convert_element_type3A_134 = arith.extui %and3A_133 : i1 to i32
      %cond3A_135 = arith.constant 0 : i32
      %cond3A_136 = arith.cmpi ne, %convert_element_type3A_134, %cond3A_135 : i32
      scf.if %cond3A_136 {
        %dma_wait3A_159 = arith.constant 0 : i32
        %dma_wait3A_160 = tpu.memref_slice %arg7[%dma_wait3A_159] : memref<256xi32, #tpu.memory_space<vmem>> -> memref<128xi32, #tpu.memory_space<vmem>>
        %dma_wait3A_161 = arith.constant 0 : i32
        %dma_wait3A_162 = arith.constant 0 : i32
        %dma_wait3A_163 = tpu.memref_slice %arg2[%dma_wait3A_161, %dma_wait3A_162] : memref<10112x128xf32, #tpu.memory_space<hbm>> -> memref<10112x128xf32, #tpu.memory_space<hbm>>
        tpu.wait_indirect_dma semaphore(%arg17 : memref<!tpu.dma_semaphore, #tpu.memory_space<semaphore_mem>>) src(%dma_wait3A_163 : memref<10112x128xf32, #tpu.memory_space<hbm>>) dst(%arg10 : memref<128x128xf32, #tpu.memory_space<vmem>>)
        %dma_start3A_164 = arith.constant 128 : i32
        %dma_start3A_165 = tpu.memref_slice %arg7[%dma_start3A_164] : memref<256xi32, #tpu.memory_space<vmem>> -> memref<128xi32, #tpu.memory_space<vmem>>
        %dma_start3A_166 = arith.constant 0 : i32
        %dma_start3A_167 = arith.constant 0 : i32
        %dma_start3A_168 = tpu.memref_slice %arg12[%dma_start3A_166, %dma_start3A_167] : memref<10112x128xf32, #tpu.memory_space<vmem_shared>> -> memref<10112x128xf32, #tpu.memory_space<vmem_shared>>
        tpu.enqueue_indirect_dma source(%arg10 : memref<128x128xf32, #tpu.memory_space<vmem>>) target(%dma_start3A_168 : memref<10112x128xf32, #tpu.memory_space<vmem_shared>>) offsets(%dma_start3A_165 : memref<128xi32, #tpu.memory_space<vmem>>) semaphore(%arg20 : memref<!tpu.dma_semaphore, #tpu.memory_space<semaphore_mem>>) {add = true}
      } else {
      }
      %ge3A_137 = arith.constant 2 : i32
      %ge3A_138 = arith.cmpi sge, %add3A_121, %ge3A_137 : i32
      %add3A_139 = arith.addi %mul3A_4, %add3A_121 : i32
      %sub3A_140 = arith.constant 2 : i32
      %sub3A_141 = arith.subi %add3A_139, %sub3A_140 : i32
      %lt3A_142 = arith.cmpi slt, %sub3A_141, %min3A_7 : i32
      %and3A_143 = arith.andi %ge3A_138, %lt3A_142 : i1
      %convert_element_type3A_144 = arith.extui %and3A_143 : i1 to i32
      %cond3A_145 = arith.constant 0 : i32
      %cond3A_146 = arith.cmpi ne, %convert_element_type3A_144, %cond3A_145 : i32
      scf.if %cond3A_146 {
        %dma_wait3A_159 = arith.constant 128 : i32
        %dma_wait3A_160 = tpu.memref_slice %arg6[%dma_wait3A_159] : memref<256xi32, #tpu.memory_space<vmem>> -> memref<128xi32, #tpu.memory_space<vmem>>
        %dma_wait3A_161 = arith.constant 0 : i32
        %dma_wait3A_162 = arith.constant 0 : i32
        %dma_wait3A_163 = tpu.memref_slice %arg12[%dma_wait3A_161, %dma_wait3A_162] : memref<10112x128xf32, #tpu.memory_space<vmem_shared>> -> memref<10112x128xf32, #tpu.memory_space<vmem_shared>>
        tpu.wait_indirect_dma semaphore(%arg19 : memref<!tpu.dma_semaphore, #tpu.memory_space<semaphore_mem>>) src(%arg9 : memref<128x128xf32, #tpu.memory_space<vmem>>) dst(%dma_wait3A_163 : memref<10112x128xf32, #tpu.memory_space<vmem_shared>>)
      } else {
      }
      %add3A_147 = arith.constant 1 : i32
      %add3A_148 = arith.addi %add3A_121, %add3A_147 : i32
      %lt3A_149 = arith.constant 81 : i32
      %lt3A_150 = arith.cmpi slt, %add3A_148, %lt3A_149 : i32
      %add3A_151 = arith.addi %mul3A_4, %add3A_121 : i32
      %add3A_152 = arith.constant 1 : i32
      %add3A_153 = arith.addi %add3A_151, %add3A_152 : i32
      %lt3A_154 = arith.cmpi slt, %add3A_153, %min3A_7 : i32
      %and3A_155 = arith.andi %lt3A_150, %lt3A_154 : i1
      %convert_element_type3A_156 = arith.extui %and3A_155 : i1 to i32
      %cond3A_157 = arith.constant 0 : i32
      %cond3A_158 = arith.cmpi ne, %convert_element_type3A_156, %cond3A_157 : i32
      scf.if %cond3A_158 {
        %add3A_159 = arith.constant 1 : i32
        %add3A_160 = arith.addi %add3A_121, %add3A_159 : i32
        %add3A_161 = arith.addi %mul3A_4, %add3A_160 : i32
        %dma_start3A_162 = arith.constant 0 : i32
        %dma_start3A_163 = tpu.memref_slice %arg3[%add3A_161, %dma_start3A_162] : memref<2592x256xi32, #tpu.memory_space<hbm>> -> memref<1x256xi32, #tpu.memory_space<hbm>>
        %dma_start3A_164 = tpu.memref_squeeze %dma_start3A_163 : memref<1x256xi32, #tpu.memory_space<hbm>> -> memref<256xi32, #tpu.memory_space<hbm>>
        %dma_start3A_165 = arith.constant 0 : i32
        %dma_start3A_166 = tpu.memref_slice %arg3[%add3A_161, %dma_start3A_165] : memref<2592x256xi32, #tpu.memory_space<hbm>> -> memref<1x256xi32, #tpu.memory_space<hbm>>
        %dma_start3A_167 = tpu.memref_squeeze %dma_start3A_166 : memref<1x256xi32, #tpu.memory_space<hbm>> -> memref<256xi32, #tpu.memory_space<hbm>>
        tpu.enqueue_dma source(%dma_start3A_167 : memref<256xi32, #tpu.memory_space<hbm>>) target(%arg6 : memref<256xi32, #tpu.memory_space<vmem>>) target_semaphore(%arg13 : memref<!tpu.dma_semaphore, #tpu.memory_space<semaphore_mem>>)
      } else {
      }
    }
    %scan3A_14 = arith.constant 27 : i32
    %add3A_15 = arith.constant 80 : i32
    %add3A_16 = arith.addi %mul3A_4, %add3A_15 : i32
    %lt3A_17 = arith.cmpi slt, %add3A_16, %min3A_7 : i32
    %convert_element_type3A_18 = arith.extui %lt3A_17 : i1 to i32
    %cond3A_19 = arith.constant 0 : i32
    %cond3A_20 = arith.cmpi ne, %convert_element_type3A_18, %cond3A_19 : i32
    scf.if %cond3A_20 {
      %dma_wait3A_36 = arith.constant 0 : i32
      %dma_wait3A_37 = tpu.memref_slice %arg8[%dma_wait3A_36] : memref<256xi32, #tpu.memory_space<vmem>> -> memref<128xi32, #tpu.memory_space<vmem>>
      %dma_wait3A_38 = arith.constant 0 : i32
      %dma_wait3A_39 = arith.constant 0 : i32
      %dma_wait3A_40 = tpu.memref_slice %arg2[%dma_wait3A_38, %dma_wait3A_39] : memref<10112x128xf32, #tpu.memory_space<hbm>> -> memref<10112x128xf32, #tpu.memory_space<hbm>>
      tpu.wait_indirect_dma semaphore(%arg18 : memref<!tpu.dma_semaphore, #tpu.memory_space<semaphore_mem>>) src(%dma_wait3A_40 : memref<10112x128xf32, #tpu.memory_space<hbm>>) dst(%arg11 : memref<128x128xf32, #tpu.memory_space<vmem>>)
      %dma_start3A_41 = arith.constant 128 : i32
      %dma_start3A_42 = tpu.memref_slice %arg8[%dma_start3A_41] : memref<256xi32, #tpu.memory_space<vmem>> -> memref<128xi32, #tpu.memory_space<vmem>>
      %dma_start3A_43 = arith.constant 0 : i32
      %dma_start3A_44 = arith.constant 0 : i32
      %dma_start3A_45 = tpu.memref_slice %arg12[%dma_start3A_43, %dma_start3A_44] : memref<10112x128xf32, #tpu.memory_space<vmem_shared>> -> memref<10112x128xf32, #tpu.memory_space<vmem_shared>>
      tpu.enqueue_indirect_dma source(%arg11 : memref<128x128xf32, #tpu.memory_space<vmem>>) target(%dma_start3A_45 : memref<10112x128xf32, #tpu.memory_space<vmem_shared>>) offsets(%dma_start3A_42 : memref<128xi32, #tpu.memory_space<vmem>>) semaphore(%arg21 : memref<!tpu.dma_semaphore, #tpu.memory_space<semaphore_mem>>) {add = true}
    } else {
    }
    %add3A_21 = arith.constant 80 : i32
    %add3A_22 = arith.addi %mul3A_4, %add3A_21 : i32
    %sub3A = arith.constant 1 : i32
    %sub3A_23 = arith.subi %add3A_22, %sub3A : i32
    %lt3A_24 = arith.cmpi slt, %sub3A_23, %min3A_7 : i32
    %and3A = arith.constant true
    %and3A_25 = arith.andi %and3A, %lt3A_24 : i1
    %convert_element_type3A_26 = arith.extui %and3A_25 : i1 to i32
    %cond3A_27 = arith.constant 0 : i32
    %cond3A_28 = arith.cmpi ne, %convert_element_type3A_26, %cond3A_27 : i32
    scf.if %cond3A_28 {
      %dma_wait3A_36 = arith.constant 128 : i32
      %dma_wait3A_37 = tpu.memref_slice %arg7[%dma_wait3A_36] : memref<256xi32, #tpu.memory_space<vmem>> -> memref<128xi32, #tpu.memory_space<vmem>>
      %dma_wait3A_38 = arith.constant 0 : i32
      %dma_wait3A_39 = arith.constant 0 : i32
      %dma_wait3A_40 = tpu.memref_slice %arg12[%dma_wait3A_38, %dma_wait3A_39] : memref<10112x128xf32, #tpu.memory_space<vmem_shared>> -> memref<10112x128xf32, #tpu.memory_space<vmem_shared>>
      tpu.wait_indirect_dma semaphore(%arg20 : memref<!tpu.dma_semaphore, #tpu.memory_space<semaphore_mem>>) src(%arg10 : memref<128x128xf32, #tpu.memory_space<vmem>>) dst(%dma_wait3A_40 : memref<10112x128xf32, #tpu.memory_space<vmem_shared>>)
    } else {
    }
    %add3A_29 = arith.constant 80 : i32
    %add3A_30 = arith.addi %mul3A_4, %add3A_29 : i32
    %lt3A_31 = arith.cmpi slt, %add3A_30, %min3A_7 : i32
    %convert_element_type3A_32 = arith.extui %lt3A_31 : i1 to i32
    %cond3A_33 = arith.constant 0 : i32
    %cond3A_34 = arith.cmpi ne, %convert_element_type3A_32, %cond3A_33 : i32
    scf.if %cond3A_34 {
      %dma_wait3A_36 = arith.constant 128 : i32
      %dma_wait3A_37 = tpu.memref_slice %arg8[%dma_wait3A_36] : memref<256xi32, #tpu.memory_space<vmem>> -> memref<128xi32, #tpu.memory_space<vmem>>
      %dma_wait3A_38 = arith.constant 0 : i32
      %dma_wait3A_39 = arith.constant 0 : i32
      %dma_wait3A_40 = tpu.memref_slice %arg12[%dma_wait3A_38, %dma_wait3A_39] : memref<10112x128xf32, #tpu.memory_space<vmem_shared>> -> memref<10112x128xf32, #tpu.memory_space<vmem_shared>>
      tpu.wait_indirect_dma semaphore(%arg21 : memref<!tpu.dma_semaphore, #tpu.memory_space<semaphore_mem>>) src(%arg11 : memref<128x128xf32, #tpu.memory_space<vmem>>) dst(%dma_wait3A_40 : memref<10112x128xf32, #tpu.memory_space<vmem_shared>>)
    } else {
    }
    %barrier3A_35 = arith.constant 0 : index
    tpu.barrier barrier_id(%barrier3A_35)
    "tpu.region"() ({
      %run_scoped3A = tpu.sem_alloc : memref<!tpu.dma_semaphore, #tpu.memory_space<semaphore_mem>>
      %dma_start3A_36 = arith.constant 0 : i32
      %dma_start3A_37 = tpu.memref_slice %arg5[%arg0, %mul3A_2, %dma_start3A_36] : memref<2x10112x128xf32, #tpu.memory_space<hbm>> -> memref<1x632x128xf32, #tpu.memory_space<hbm>>
      %dma_start3A_38 = tpu.memref_squeeze %dma_start3A_37 : memref<1x632x128xf32, #tpu.memory_space<hbm>> -> memref<632x128xf32, #tpu.memory_space<hbm>>
      %dma_start3A_39 = arith.constant 0 : i32
      %dma_start3A_40 = tpu.memref_slice %arg12[%mul3A_2, %dma_start3A_39] : memref<10112x128xf32, #tpu.memory_space<vmem_shared>> -> memref<632x128xf32, #tpu.memory_space<vmem_shared>>
      tpu.enqueue_dma source(%dma_start3A_40 : memref<632x128xf32, #tpu.memory_space<vmem_shared>>) target(%dma_start3A_38 : memref<632x128xf32, #tpu.memory_space<hbm>>) target_semaphore(%run_scoped3A : memref<!tpu.dma_semaphore, #tpu.memory_space<semaphore_mem>>)
      %dma_wait3A_41 = arith.constant 0 : i32
      %dma_wait3A_42 = tpu.memref_slice %arg5[%arg0, %mul3A_2, %dma_wait3A_41] : memref<2x10112x128xf32, #tpu.memory_space<hbm>> -> memref<1x632x128xf32, #tpu.memory_space<hbm>>
      %dma_wait3A_43 = tpu.memref_squeeze %dma_wait3A_42 : memref<1x632x128xf32, #tpu.memory_space<hbm>> -> memref<632x128xf32, #tpu.memory_space<hbm>>
      %dma_wait3A_44 = arith.constant 0 : i32
      %dma_wait3A_45 = tpu.memref_slice %arg12[%mul3A_2, %dma_wait3A_44] : memref<10112x128xf32, #tpu.memory_space<vmem_shared>> -> memref<632x128xf32, #tpu.memory_space<vmem_shared>>
      tpu.wait_dma2 semaphore(%run_scoped3A : memref<!tpu.dma_semaphore, #tpu.memory_space<semaphore_mem>>) src(%dma_wait3A_45 : memref<632x128xf32, #tpu.memory_space<vmem_shared>>) dst(%dma_wait3A_43 : memref<632x128xf32, #tpu.memory_space<hbm>>)
      tpu.yield
    }) : () -> ()
    return
  }
}

module attributes {stable_mosaic.version = 14 : i64} {
  func.func @body(%arg0: memref<10112x1xf32, #tpu.memory_space<vmem>>, %arg1: memref<10112x1xf32, #tpu.memory_space<vmem>>, %arg2: memref<10112x128xf32, #tpu.memory_space<vmem>>, %arg3: memref<128x128xf32, #tpu.memory_space<vmem>>, %arg4: memref<10112x1xf32, #tpu.memory_space<vmem>>, %arg5: memref<10112x128xf32, #tpu.memory_space<vmem>>) attributes {dimension_semantics = [], scalar_prefetch = 0 : i64, scratch_operands = 0 : i64, tpu.core_type = #tpu.core_type<tc>} {
    %get3A = arith.constant 0 : index
    %get3A_0 = arith.constant 0 : index
    %get3A_1 = vector.load %arg0[%get3A, %get3A_0] : memref<10112x1xf32, #tpu.memory_space<vmem>>, vector<10112x1xf32>
    %get3A_2 = arith.constant 0 : index
    %get3A_3 = arith.constant 0 : index
    %get3A_4 = vector.load %arg1[%get3A_2, %get3A_3] : memref<10112x1xf32, #tpu.memory_space<vmem>>, vector<10112x1xf32>
    %add3A = arith.addf %get3A_1, %get3A_4 : vector<10112x1xf32>
    %add3A_5 = arith.constant 1.000000e+00 : f32
    %add3A_6 = vector.broadcast %add3A_5 : f32 to vector<10112x1xf32>
    %add3A_7 = arith.addf %add3A, %add3A_6 : vector<10112x1xf32>
    %rsqrt3A = math.rsqrt %add3A_7 : vector<10112x1xf32>
    %swap3A = arith.constant 0 : index
    %swap3A_8 = arith.constant 0 : index
    %swap3A_9 = vector.load %arg4[%swap3A, %swap3A_8] : memref<10112x1xf32, #tpu.memory_space<vmem>>, vector<10112x1xf32>
    tpu.vector_store %arg4[%swap3A, %swap3A_8], %rsqrt3A {strides = array<i32>} : memref<10112x1xf32, #tpu.memory_space<vmem>>, vector<10112x1xf32>,
    %get3A_10 = arith.constant 0 : index
    %get3A_11 = arith.constant 0 : index
    %get3A_12 = vector.load %arg2[%get3A_10, %get3A_11] : memref<10112x128xf32, #tpu.memory_space<vmem>>, vector<10112x128xf32>
    %mul3A = vector.broadcast %rsqrt3A : vector<10112x1xf32> to vector<10112x128xf32>
    %mul3A_13 = arith.mulf %get3A_12, %mul3A : vector<10112x128xf32>
    %get3A_14 = arith.constant 0 : index
    %get3A_15 = arith.constant 0 : index
    %get3A_16 = vector.load %arg3[%get3A_14, %get3A_15] : memref<128x128xf32, #tpu.memory_space<vmem>>, vector<128x128xf32>
    %dot_general3A = arith.constant dense<0.000000e+00> : vector<10112x128xf32>
    %dot_general3A_17 = tpu.matmul %mul3A_13, %get3A_16, %dot_general3A {dimension_numbers = #tpu.dot_dimension_numbers<[1], [0], [0], [1], [0, 0, 1, 1], [], []>, transpose_lhs_hint = false} : vector<10112x128xf32>, vector<128x128xf32>, vector<10112x128xf32> -> vector<10112x128xf32>
    %swap3A_18 = arith.constant 0 : index
    %swap3A_19 = arith.constant 0 : index
    %swap3A_20 = vector.load %arg5[%swap3A_18, %swap3A_19] : memref<10112x128xf32, #tpu.memory_space<vmem>>, vector<10112x128xf32>
    tpu.vector_store %arg5[%swap3A_18, %swap3A_19], %dot_general3A_17 {strides = array<i32>} : memref<10112x128xf32, #tpu.memory_space<vmem>>, vector<10112x128xf32>,
    return
  }
}

module attributes {stable_mosaic.version = 14 : i64} {
  func.func @body(%arg0: memref<10112x128xf32, #tpu.memory_space<vmem>>, %arg1: memref<10112x128xf32, #tpu.memory_space<vmem>>, %arg2: memref<10112x128xf32, #tpu.memory_space<vmem>>, %arg3: memref<10112x1xf32, #tpu.memory_space<vmem>>, %arg4: memref<1x128xf32, #tpu.memory_space<vmem>>, %arg5: memref<10112x128xf32, #tpu.memory_space<vmem>>) attributes {dimension_semantics = [], scalar_prefetch = 0 : i64, scratch_operands = 0 : i64, tpu.core_type = #tpu.core_type<tc>} {
    %get3A = arith.constant 0 : index
    %get3A_0 = arith.constant 0 : index
    %get3A_1 = vector.load %arg3[%get3A, %get3A_0] : memref<10112x1xf32, #tpu.memory_space<vmem>>, vector<10112x1xf32>
    %get3A_2 = arith.constant 0 : index
    %get3A_3 = arith.constant 0 : index
    %get3A_4 = vector.load %arg0[%get3A_2, %get3A_3] : memref<10112x128xf32, #tpu.memory_space<vmem>>, vector<10112x128xf32>
    %get3A_5 = arith.constant 0 : index
    %get3A_6 = arith.constant 0 : index
    %get3A_7 = vector.load %arg1[%get3A_5, %get3A_6] : memref<10112x128xf32, #tpu.memory_space<vmem>>, vector<10112x128xf32>
    %add3A = arith.addf %get3A_4, %get3A_7 : vector<10112x128xf32>
    %get3A_8 = arith.constant 0 : index
    %get3A_9 = arith.constant 0 : index
    %get3A_10 = vector.load %arg2[%get3A_8, %get3A_9] : memref<10112x128xf32, #tpu.memory_space<vmem>>, vector<10112x128xf32>
    %add3A_11 = arith.addf %add3A, %get3A_10 : vector<10112x128xf32>
    %mul3A = vector.broadcast %get3A_1 : vector<10112x1xf32> to vector<10112x128xf32>
    %mul3A_12 = arith.mulf %mul3A, %add3A_11 : vector<10112x128xf32>
    %get3A_13 = arith.constant 0 : index
    %get3A_14 = arith.constant 0 : index
    %get3A_15 = vector.load %arg4[%get3A_13, %get3A_14] : memref<1x128xf32, #tpu.memory_space<vmem>>, vector<1x128xf32>
    %add3A_16 = vector.broadcast %get3A_15 : vector<1x128xf32> to vector<10112x128xf32>
    %add3A_17 = arith.addf %mul3A_12, %add3A_16 : vector<10112x128xf32>
    %max3A = arith.constant 0.000000e+00 : f32
    %max3A_18 = vector.broadcast %max3A : f32 to vector<10112x128xf32>
    %max3A_19 = arith.maximumf %add3A_17, %max3A_18 : vector<10112x128xf32>
    %mul3A_20 = vector.broadcast %get3A_1 : vector<10112x1xf32> to vector<10112x128xf32>
    %mul3A_21 = arith.mulf %max3A_19, %mul3A_20 : vector<10112x128xf32>
    %swap3A = arith.constant 0 : index
    %swap3A_22 = arith.constant 0 : index
    %swap3A_23 = vector.load %arg5[%swap3A, %swap3A_22] : memref<10112x128xf32, #tpu.memory_space<vmem>>, vector<10112x128xf32>
    tpu.vector_store %arg5[%swap3A, %swap3A_22], %mul3A_21 {strides = array<i32>} : memref<10112x128xf32, #tpu.memory_space<vmem>>, vector<10112x128xf32>,
    return
  }
}

module attributes {stable_mosaic.version = 14 : i64} {
  func.func @body(%arg0: memref<10112x128xf32, #tpu.memory_space<vmem>>, %arg1: memref<10112x128xf32, #tpu.memory_space<vmem>>, %arg2: memref<10112x128xf32, #tpu.memory_space<vmem>>, %arg3: memref<10112x1xf32, #tpu.memory_space<vmem>>, %arg4: memref<128x48xf32, #tpu.memory_space<vmem>>, %arg5: memref<1x48xf32, #tpu.memory_space<vmem>>, %arg6: memref<10112x48xf32, #tpu.memory_space<vmem>>) attributes {dimension_semantics = [], scalar_prefetch = 0 : i64, scratch_operands = 0 : i64, tpu.core_type = #tpu.core_type<tc>} {
    %get3A = arith.constant 0 : index
    %get3A_0 = arith.constant 0 : index
    %get3A_1 = vector.load %arg3[%get3A, %get3A_0] : memref<10112x1xf32, #tpu.memory_space<vmem>>, vector<10112x1xf32>
    %get3A_2 = arith.constant 0 : index
    %get3A_3 = arith.constant 0 : index
    %get3A_4 = vector.load %arg0[%get3A_2, %get3A_3] : memref<10112x128xf32, #tpu.memory_space<vmem>>, vector<10112x128xf32>
    %get3A_5 = arith.constant 0 : index
    %get3A_6 = arith.constant 0 : index
    %get3A_7 = vector.load %arg1[%get3A_5, %get3A_6] : memref<10112x128xf32, #tpu.memory_space<vmem>>, vector<10112x128xf32>
    %add3A = arith.addf %get3A_4, %get3A_7 : vector<10112x128xf32>
    %get3A_8 = arith.constant 0 : index
    %get3A_9 = arith.constant 0 : index
    %get3A_10 = vector.load %arg2[%get3A_8, %get3A_9] : memref<10112x128xf32, #tpu.memory_space<vmem>>, vector<10112x128xf32>
    %add3A_11 = arith.addf %add3A, %get3A_10 : vector<10112x128xf32>
    %mul3A = vector.broadcast %get3A_1 : vector<10112x1xf32> to vector<10112x128xf32>
    %mul3A_12 = arith.mulf %mul3A, %add3A_11 : vector<10112x128xf32>
    %get3A_13 = arith.constant 0 : index
    %get3A_14 = arith.constant 0 : index
    %get3A_15 = vector.load %arg4[%get3A_13, %get3A_14] : memref<128x48xf32, #tpu.memory_space<vmem>>, vector<128x48xf32>
    %dot_general3A = arith.constant dense<0.000000e+00> : vector<10112x48xf32>
    %dot_general3A_16 = tpu.matmul %mul3A_12, %get3A_15, %dot_general3A {dimension_numbers = #tpu.dot_dimension_numbers<[1], [0], [0], [1], [0, 0, 1, 1], [], []>, transpose_lhs_hint = false} : vector<10112x128xf32>, vector<128x48xf32>, vector<10112x48xf32> -> vector<10112x48xf32>
    %get3A_17 = arith.constant 0 : index
    %get3A_18 = arith.constant 0 : index
    %get3A_19 = vector.load %arg5[%get3A_17, %get3A_18] : memref<1x48xf32, #tpu.memory_space<vmem>>, vector<1x48xf32>
    %add3A_20 = vector.broadcast %get3A_19 : vector<1x48xf32> to vector<10112x48xf32>
    %add3A_21 = arith.addf %dot_general3A_16, %add3A_20 : vector<10112x48xf32>
    %iota3A = tpu.iota {dimensions = array<i32: 1>} : vector<10112x48xi32>
    %lt3A = arith.constant 40 : i32
    %lt3A_22 = vector.broadcast %lt3A : i32 to vector<10112x48xi32>
    %lt3A_23 = arith.cmpi slt, %iota3A, %lt3A_22 : vector<10112x48xi32>
    %jit3A = arith.constant -1.000000e+30 : f32
    %broadcast_in_dim3A = vector.broadcast %jit3A : f32 to vector<10112x48xf32>
    %select_n3A = arith.select %lt3A_23, %add3A_21, %broadcast_in_dim3A : vector<10112x48xi1>, vector<10112x48xf32>
    %reduce_max3A = arith.constant dense<0xFF800000> : vector<10112xf32>
    %reduce_max3A_24 = vector.multi_reduction <maximumf>, %select_n3A, %reduce_max3A [1] : vector<10112x48xf32> to vector<10112xf32>
    %broadcast_in_dim3A_25 = vector.shape_cast %reduce_max3A_24 : vector<10112xf32> to vector<10112x1xf32>
    %sub3A = vector.broadcast %broadcast_in_dim3A_25 : vector<10112x1xf32> to vector<10112x48xf32>
    %sub3A_26 = arith.subf %select_n3A, %sub3A : vector<10112x48xf32>
    %exp3A = math.exp %sub3A_26 : vector<10112x48xf32>
    %jit3A_27 = arith.constant 0.000000e+00 : f32
    %broadcast_in_dim3A_28 = vector.broadcast %jit3A_27 : f32 to vector<10112x48xf32>
    %select_n3A_29 = arith.select %lt3A_23, %exp3A, %broadcast_in_dim3A_28 : vector<10112x48xi1>, vector<10112x48xf32>
    %reduce_sum3A = arith.constant dense<0.000000e+00> : vector<10112xf32>
    %reduce_sum3A_30 = vector.multi_reduction <add>, %select_n3A_29, %reduce_sum3A [1] : vector<10112x48xf32> to vector<10112xf32>
    %broadcast_in_dim3A_31 = vector.shape_cast %reduce_sum3A_30 : vector<10112xf32> to vector<10112x1xf32>
    %log3A = math.log %broadcast_in_dim3A_31 : vector<10112x1xf32>
    %sub3A_32 = vector.broadcast %broadcast_in_dim3A_25 : vector<10112x1xf32> to vector<10112x48xf32>
    %sub3A_33 = arith.subf %select_n3A, %sub3A_32 : vector<10112x48xf32>
    %sub3A_34 = vector.broadcast %log3A : vector<10112x1xf32> to vector<10112x48xf32>
    %sub3A_35 = arith.subf %sub3A_33, %sub3A_34 : vector<10112x48xf32>
    %swap3A = arith.constant 0 : index
    %swap3A_36 = arith.constant 0 : index
    %swap3A_37 = vector.load %arg6[%swap3A, %swap3A_36] : memref<10112x48xf32, #tpu.memory_space<vmem>>, vector<10112x48xf32>
    tpu.vector_store %arg6[%swap3A, %swap3A_36], %sub3A_35 {strides = array<i32>} : memref<10112x48xf32, #tpu.memory_space<vmem>>, vector<10112x48xf32>,
    return
  }
}

</mosaic_0001>

<sc_bundles>
// kernel: kernel.11.cloned.1.call-start
scs
__scs_entry_jumppad:
0x0: {  	(pc) =	sbr.rel $0x88, $3  }
0x1: {  	(tag) =	ssettag $0x0;
	lr =	simm.s32 $0x1  }
0x2: {  	[smem:$0x3F9B] =	sst lr;
	_ =	strace $0xD0000000  }
0x3: {  	_ = 	snop  }
0x4: {  	_ = 	snop  }
0x5: {  	_ = 	snop  }
0x6: {  	_ = 	snop  }
0x7: {  	_ = 	snop  }
__scs_overlays_trampoline_lowered:
0x8: {  	[smem:$0x3FAA] =	sst s0  }
0x9: {  	[smem:$0x3FAB] =	sst s1  }
0xa: {  	[smem:$0x3FAC] =	sst s2  }
0xb: {  	[smem:$0x3FAD] =	sst s3  }
0xc: {  	[smem:$0x3FAE] =	sst s4  }
0xd: {  	[smem:$0x3FAF] =	sst s5  }
0xe: {  	[smem:$0x3FB0] =	sst s6  }
0xf: {  	[smem:$0x3FB1] =	sst s7  }
0x10: {  	[smem:$0x3FB2] =	sst s8  }
0x11: {  	[smem:$0x3FB3] =	sst s9;
	s0 =	simm.s32 @!p0 $0x0  }
0x12: {  	s1 =	sld [smem:$0x3F99];
	s0 =	simm.s32 @p0 $0x1  }
0x13: {  	[smem:$0x3FB4] =	sst s0;
	s0 =	simm.s32 @!p1 $0x0  }
0x14: {  	s2 =	sld [smem:$0x3F98];
	s0 =	simm.s32 @p1 $0x1  }
0x15: {  	[smem:$0x3FB5] =	sst s0;
	s0 =	simm.s32 @!p2 $0x0  }
0x16: {  	s3 =	sld [smem:$0x3FDB];
	s0 =	simm.s32 @p2 $0x1  }
0x17: {  	s4 =	simm.s32 $0x1BF5;
	[smem:$0x3FB7] =	sst s0  }
0x18: {  	s0 =	sld [smem:$0x3F9A];
	_ =	swait.ge [sflag:s4], $0x0  }
0x19: {  	s7 =	sld [smem:$0x3F9B]  }
0x1a: {  	s8 =	sadd.s32 $0xFFFFE003, lr  }
0x1b: {  	s9 =	sadd.s32 $0xFFFFFEF7, lr;
	s5 =	simm.s32 $0xFFFFFFFF;
	p2 =	slt.u32 s8, $0xFFFFF086  }
0x1c: {  	p1 =	slt.u32 s9, $0xF7A;
	s5 =	simm.s32 @!p2 $0x0  }
0x1d: {  	s5 =	simm.s32 @p1 $0x1;
	p0 =	seq.s32 s7, s2  }
0x1e: {  	s7 =	smul.u32 @!p0 $0xF7A, s2;
	p2 =	seq.s32 @!p0 s5, $0x0  }
0x1f: {  	s9 =	smul.u32 $0xF7A, s1;
	s8 =	simm.s32 @!p0 $0x1BF5;
	p2 =	por !p2, p0  }
0x20: {  	[sflag:s8] =	ssyncset.s32 @!p0 $0xFFFFF086;
	s6 =	sadd.s32 @!p0 s3, s7;
	s7 =	simm.s32 @!p0 $0x108  }
0x21: {  	s3 =	sadd.s32 s3, s9;
	s6 =	sadd.s32 @!p0 $0x88, s6;
	s7 =	simm.s32 @p2 $0x1082  }
0x22: {  	[simem:s7], [sflag:s8] =	dma.local @!p0 [hbm:s6], $0xF7A  }
0x23: {  	s9 =	sor.u32 $0xD0000000, s2;
	s6 =	simm.s32 $0x108;
	_ =	swait.ge @!p0 [sflag:s8], $0x0  }
0x24: {  	s3 =	sadd.s32 $0x88, s3;
	s6 =	simm.s32 @!p1 $0x1082;
	[sflag:s4] =	ssyncset.s32 $0xFFFFF086  }
0x25: {  	[simem:s6], [sflag:s4] =	dma.local [hbm:s3], $0xF7A  }
0x26: {  	[smem:$0x3F9B] =	sst s1;
	(tag) =	ssettag s2;
	_ =	strace s9  }
0x27: {  	s1 =	sld [smem:$0x3FAB]  }
0x28: {  	s2 =	sld [smem:$0x3FAC]  }
0x29: {  	s4 =	sld [smem:$0x3FAE]  }
0x2a: {  	p0 =	seq.s32 s5, $0x0;
	s5 =	sld [smem:$0x3FAF]  }
0x2b: {  	s6 =	sld [smem:$0x3FB0]  }
0x2c: {  	s7 =	sld [smem:$0x3FB1]  }
0x2d: {  	s3 =	simm.s32 $0x108;
	s8 =	sld [smem:$0x3FB2]  }
0x2e: {  	s3 =	simm.s32 @!p0 $0x1082;
	s9 =	sld [smem:$0x3FB3]  }
0x2f: {  	lr =	sadd.s32 s0, s3;
	s0 =	sld [smem:$0x3FAA]  }
0x30: {  	s3 =	sld [smem:$0x3FAD]  }
0x31: {  	[smem:$0x3FB6] =	sst s10  }
0x32: {  	s10 =	sld [smem:$0x3FB4];
	_ =	sdelay $0x3  }
0x33: {  	p0 =	seq.s32 s10, $0x1;
	s10 =	sld [smem:$0x3FB6];
	_ =	sdelay $0x3  }
0x34: {  	[smem:$0x3FB6] =	sst s10  }
0x35: {  	s10 =	sld [smem:$0x3FB5];
	_ =	sdelay $0x3  }
0x36: {  	p1 =	seq.s32 s10, $0x1;
	s10 =	sld [smem:$0x3FB6];
	_ =	sdelay $0x3  }
0x37: {  	[smem:$0x3FB6] =	sst s10  }
0x38: {  	s10 =	sld [smem:$0x3FB7]  }
0x39: {  	_ = 	snop;
	(pc) =	sbr.ind lr, $3  }
0x3a: {  	_ = 	snop  }
0x3b: {  	_ = 	snop  }
0x3c: {  	p2 =	seq.s32 s10, $0x1;
	s10 =	sld [smem:$0x3FB6]  }
0x3d: {  	_ =	shalt  }
0x3e: {  	_ =	shalt  }
0x3f: {  	_ =	shalt  }
0x40: {  	_ =	shalt  }
0x41: {  	_ =	shalt  }
0x42: {  	_ =	shalt  }
0x43: {  	_ =	shalt  }
0x44: {  	_ =	shalt  }
0x45: {  	_ =	shalt  }
0x46: {  	_ =	shalt  }
0x47: {  	_ =	shalt  }
0x48: {  	_ =	shalt  }
0x49: {  	_ =	shalt  }
0x4a: {  	_ =	shalt  }
0x4b: {  	_ =	shalt  }
0x4c: {  	_ =	shalt  }
0x4d: {  	_ =	shalt  }
0x4e: {  	_ =	shalt  }
0x4f: {  	_ =	shalt  }
0x50: {  	_ =	shalt  }
0x51: {  	_ =	shalt  }
0x52: {  	_ =	shalt  }
0x53: {  	_ =	shalt  }
0x54: {  	_ =	shalt  }
0x55: {  	_ =	shalt  }
0x56: {  	_ =	shalt  }
0x57: {  	_ =	shalt  }
0x58: {  	_ =	shalt  }
0x59: {  	_ =	shalt  }
0x5a: {  	_ =	shalt  }
0x5b: {  	_ =	shalt  }
0x5c: {  	_ =	shalt  }
0x5d: {  	_ =	shalt  }
0x5e: {  	_ =	shalt  }
0x5f: {  	_ =	shalt  }
0x60: {  	_ =	shalt  }
0x61: {  	_ =	shalt  }
0x62: {  	_ =	shalt  }
0x63: {  	_ =	shalt  }
0x64: {  	_ =	shalt  }
0x65: {  	_ =	shalt  }
0x66: {  	_ =	shalt  }
0x67: {  	_ =	shalt  }
0x68: {  	_ =	shalt  }
0x69: {  	_ =	shalt  }
0x6a: {  	_ =	shalt  }
0x6b: {  	_ =	shalt  }
0x6c: {  	_ =	shalt  }
0x6d: {  	_ =	shalt  }
0x6e: {  	_ =	shalt  }
0x6f: {  	_ =	shalt  }
0x70: {  	_ =	shalt  }
0x71: {  	_ =	shalt  }
0x72: {  	_ =	shalt  }
0x73: {  	_ =	shalt  }
0x74: {  	_ =	shalt  }
0x75: {  	_ =	shalt  }
0x76: {  	_ =	shalt  }
0x77: {  	_ =	shalt  }
0x78: {  	_ =	shalt  }
0x79: {  	_ =	shalt  }
0x7a: {  	_ =	shalt  }
0x7b: {  	_ =	shalt  }
0x7c: {  	_ =	shalt  }
0x7d: {  	_ =	shalt  }
0x7e: {  	_ =	shalt  }
0x7f: {  	_ =	shalt  }
0x80: {  	_ =	shalt  }
0x81: {  	_ =	shalt  }
0x82: {  	_ =	shalt  }
0x83: {  	_ =	shalt  }
0x84: {  	_ =	shalt  }
0x85: {  	_ =	shalt  }
0x86: {  	_ =	shalt  }
0x87: {  	_ =	shalt  }
.Lfunc_end0:
.L_simem_size_0:
called_computation.1_lowered:
.L_overlay_start_0:
0x88: {  	s2 =	sld [smem:$0x3FD9]  }
0x89: {  	s3 =	sld [smem:$0x3FFE];
	_ =	sdelay $0x1  }
0x8a: {  	s1 =	srdreg.scid  }
0x8b: {  	s0 =	sand.u32 $0x1, s1  }
0x8c: {  	s17 =	sshll.u32 s0, $0xA;
	s2 =	sadd.s32 s3, s2  }
0x8d: {  	s2 =	sadd.s32 s2, s17  }
0x8e: {  	[smem:$0x3FC2] =	sst s2  }
0x8f: {  	_ = 	snop  }
0x90: {  	s2 =	sld [smem:$0x3FD0];
	(tm) =	ssettm $0x1  }
0x91: {  	s18 =	sld [smem:$0x3FFB];
	_ =	sdelay $0x3  }
0x92: {  	_ =	strace s18  }
0x93: {  	s3 =	sld [smem:$0x3FFC];
	_ =	sdelay $0x3  }
0x94: {  	_ =	strace s3  }
0x95: {  	s3 =	sld [smem:$0x3FFD];
	_ =	sdelay $0x3  }
0x96: {  	_ =	strace s3  }
0x97: {  	_ =	strace $0x8FFFFFFF  }
0x98: {  	s19 =	sld [smem:$0x3FDB];
	_ =	sdelay $0x1  }
0x99: {  	s4 =	simm.s32 $_scs_section_size  }
0x9a: {  	s5 =	simm.s32 $_size__tile_overlayer_lowered;
	s6 =	simm.s32 $_tile_overlayer_lowered  }
0x9b: {  	s22 =	simm.s32 $0x1BFF;
	s21 =	sshll.u32 s6, $0x1;
	s3 =	sadd.s32 s4, s19  }
0x9c: {  	s7 =	simm.s32 $0x0;
	s20 =	sshll.u32 s5, $0x1;
	s5 =	sadd.s32 s21, s3  }
0x9d: {  	[timem:s7], [sflag:s22] =	dma.local [hbm:s5], s20  }
0x9e: {  	_ =	swait.ge [sflag:s22], s20  }
0x9f: {  	s4 =	ssub.s32 $0x0, s20;
	[sflag:s22] =	ssyncset.done $0x0  }
0xa0: {  	[sflag:s22] =	ssyncadd.s32 s4;
	_ =	sdelay $0x1  }
0xa1: {  	s23 =	simm.s32 $0x1B8B  }
0xa2: {  	_ =	swait.ge [sflag:s23], $0x1  }
0xa3: {  	[sflag:s23] =	ssyncset.done $0x0  }
0xa4: {  	s25 =	simm.s32 $0x1B8E;
	s24 =	sld [smem:$0x3FFE];
	[sflag:s23] =	ssyncadd.s32 $0xFFFFFFFF  }
0xa5: {  	s26 =	simm.s32 $execute0_lowered;
	[smem:$0x3FD2] =	sst s25  }
0xa6: {  	s5 =	sshll.u32 s26, $0x1;
	_ =	strace $0x80000049;
	[dreg:$0x1] =	wrdreg $0xFFFFFFFF  }
0xa7: {  	s28 =	simm.s32 $_size_execute0_lowered;
	s3 =	sadd.s32 s3, s5;
	[dreg:$0x0] =	wrdreg $0x0  }
0xa8: {  	s5 =	sshll.u32 s28, $0x1;
	[dreg:$0x2] =	wrdreg s3  }
0xa9: {  	[dreg:$0x3] =	wrdreg s5  }
0xaa: {  	[dreg:$0x4] =	wrdreg $0xC0  }
0xab: {  	_ =	task [dreg:s7], $0x5FFFF  }
0xac: {  	[dreg:$0x1] =	wrdreg $0xFFFFFFFF  }
0xad: {  	[dreg:$0x0] =	wrdreg $0x60  }
0xae: {  	[dreg:$0x2] =	wrdreg s24  }
0xaf: {  	[dreg:$0x3] =	wrdreg s2  }
0xb0: {  	[dreg:$0x4] =	wrdreg $0xC3000  }
0xb1: {  	[dreg:$0x5] =	wrdreg $0x9  }
0xb2: {  	_ =	task.clear_ibuf [dreg:s7], $0x6FFFF;
	_ =	strace $0x90000049  }
0xb3: {  	s29 =	simm.s32 $0x9;
	_ =	strace $0x8000004B  }
0xb4: {  	_ =	swait.ge [sflag:s29], $0x1  }
0xb5: {  	[sflag:s29] =	ssyncadd.s32 $0xFFFFFFFF  }
0xb6: {  	_ =	strace $0x9000004B  }
0xb7: {  	_ =	sfence  }
0xb8: {  	s30 =	sld [smem:$0x0];
	_ =	sdelay $0x2  }
0xb9: {  	s31 =	sshll.u32 s1, $0xD;
	s1 =	sshrl.u32 s1, $0x2  }
0xba: {  	s3 =	sand.u32 $0x4000, s31;
	s1 =	sadd.s32 s1, s30  }
0xbb: {  	s0 =	sor.u32 s3, s0;
	s1 =	sshll.u32 s1, $0x11  }
0xbc: {  	s0 =	sor.u32 s1, s0  }
0xbd: {  	s0 =	sadd.s32 $0x8F2B, s0  }
0xbe: {  	[sflag:s0] =	ssyncadd.remote.s32 $0x1  }
0xbf: {  	_ =	sfence.sel $0xFFFF  }
0xc0: {  	[dreg:$0x0] =	wrdreg $0xFFFFFFFF;
	(pc) =	sbr.abs _section_cstart, $3  }
0xc1: {  	[dreg:$0x1] =	wrdreg $0xFFFFFFFF  }
0xc2: {  	_ =	task.clear_ibuf [dreg:s7], $0x2FFFF;
	_ =	strace $0x9FFFFFFF  }
0xc3: {  	(tm) =	ssettm $0x7FFFFFFF  }
tec
execute0_lowered:
.L_overlay_start_1:
0x0: {  	(tag) =	ssettag $0x1  }
0x1: {  	s11 =	stileid.u32  }
0x2: {  	s7 =	smul.u32 $0x13C00, s11  }
0x3: {  	s0 =	rddreg [dreg:$0x0];
	s9 =	smul.u32 $0x4F000, s11  }
0x4: {  	s2 =	rddreg [dreg:$0x2];
	s13 =	smul.u32 $0x1440, s11  }
0x5: {  	s1 =	srdreg.scid;
	s16 =	smul.u32 $0xA20, s11  }
0x6: {  	s4 =	simm.s32 $0x0;
	s1 =	sand.u32 $0x1, s1;
	s15 =	smul.u32 $0xA2, s11  }
0x7: {  	[smem:$0x7FF] =	sst s4;
	s5 =	sadd.s32 $0x2E00, s0;
	s3 =	smul.u32 $0x13C000, s1  }
0x8: {  	s8 =	sshll.u32 s11, $0x1;
	s6 =	sadd.s32 $0x2B400, s0;
	s14 =	smul.u32 $0xA20, s1  }
0x9: {  	s29 =	sshll.u32 s11, $0x6;
	_ =	strace $0x8000004A;
	s17 =	smul.u32 $0x51, s1  }
0xa: {  	s8 =	sor.u32 s1, s8;
	s25 =	ssub.s32 $0x2, s1;
	s1 =	smul.u32 $0x510, s1  }
0xb: {  	[dreg:$0x4] =	wrdreg s29;
	s18 =	smul.u32 $0x51, s8;
	s26 =	sshrl.u32 s25, $0x1  }
0xc: {  	s10 =	smul.u32 $0x5100, s8;
	s9 =	sshrl.u32 s9, $0x2;
	s8 =	sshll.u32 s8, $0x7  }
0xd: {  	s3 =	sadd.s32 s7, s3;
	s8 =	sand.u32 $0x380, s8;
	s19 =	sadd.s32 s9, s2  }
0xe: {  	s13 =	sadd.s32 s14, s13;
	s17 =	sadd.s32 s17, s15;
	s16 =	sadd.s32 s1, s16  }
0xf: {  	s3 =	sshrl.u32 s3, $0x3;
	s12 =	smin.u32 s18, $0x973;
	s10 =	sand.u32 $0xFF800, s10  }
0x10: {  	s20 =	sadd.s32 $0x50, s18;
	s21 =	sadd.s32 $0x4F, s18;
	s17 =	sadd.s32 $0x2, s17  }
0x11: {  	s0 =	sadd.s32 s3, s0;
	s3 =	ssub.s32 s25, s26;
	s7 =	sadd.s32 $0x51, s12  }
0x12: {  	s28 =	sor.u32 s8, s10;
	s8 =	sor.u32 $0x1C0A, s29;
	s11 =	sadd.s32 $0x53, s12  }
0x13: {  	s12 =	sadd.s32 $0x50, s12;
	s10 =	sshrl.u32 s28, $0x3;
	[dreg:$0x5] =	wrdreg s8  }
0x14: {  	s0 =	sadd.s32 $0x67000, s0;
	s31 =	smax.u32 s3, $0x1;
	p0 =	sge.u32 s18, s7  }
0x15: {  	s18 =	sshrl.u32 s19, $0x3;
	[dreg:$0x7] =	wrdreg s0;
	s0 =	simm.s32 @!p0 $0x0  }
0x16: {  	[dreg:$0x8] =	wrdreg s31;
	s0 =	simm.s32 @p0 $0x1;
	p0 =	sge.u32 s21, s7  }
0x17: {  	s30 =	sadd.s32 s6, s10;
	[smem:$0x7FC] =	sst s0;
	s0 =	simm.s32 @!p0 $0x0  }
0x18: {  	s19 =	simm.s32 $0xA;
	[dreg:$0x6] =	wrdreg s30;
	s0 =	simm.s32 @p0 $0x1  }
0x19: {  	p1 =	sge.u32 s20, s7;
	s20 =	simm.s32 $0xB;
	[smem:$0x7FD] =	sst s0  }
.LBB2_1:
0x1a: {  	s0 =	rddreg [dreg:$0x1]  }
0x1b: {  	s1 =	rddreg [dreg:$0x5]  }
0x1c: {  	[spmem:s18], [sflag:s1] =	dma.local [hbm:s0], $0x2780  }
0x1d: {  	s0 =	sld [smem:$0x7FC];
	_ =	sdelay $0x2  }
0x1e: {  	s8 =	rddreg [dreg:$0x6];
	p0 =	seq.s32 s0, $0x1  }
0x1f: {  	s0 =	simm.s32 @!p0 $0x80;
	s1 =	simm.s32 @!p0 $0x400;
	s3 =	simm.s32 @!p0 $0x0  }
0x20: {  	[tilespmem:s3], [sflag:$0x1] =	stream.strided.gather @!p0 [hbm4b:s8+s0], $0x100, s1, s0, $0x38;
	[tilespmem:$0x1FF00] =	vst v63  }
0x21: {  	_ =	swait.ge [sflag:s19], $0x2780  }
0x22: {  	p5 =	por $0x1, $0x1;
	s0 =	sadd.s32 $0xFFFFFFFE, s17;
	[sflag:s19] =	ssyncset.done $0x0  }
0x23: {  	s3 =	sadd.s32 $0xFFFFFFFF, s17;
	p3 =	sge.u32 s0, s7;
	[sflag:s19] =	ssyncadd.s32 $0xFFFFD880  }
0x24: {  	p0 =	sgt.u32 @!p5 s0, s7;
	s1 =	simm.s32 @!p3 $0x1;
	[bflag:$0x0] =	sbarrier.arrive $0xFFFF  }
0x25: {  	p2 =	sge.u32 @!p5 s0, s11;
	p4 =	sge.u32 s3, s7;
	_ =	swait.ge @!p3 [sflag:s1], $0x100  }
0x26: {  	s21 =	simm.s32 @!p3 $0x0;
	p6 =	por p0, p5;
	[sflag:s1] =	ssyncset.done @!p3 $0x0  }
0x27: {  	s24 =	simm.s32 @!p3 $0x300;
	[sflag:s1] =	ssyncadd.s32 @!p3 $0xFFFFFF00;
	s1 =	simm.s32 @!p3 $0x80  }
0x28: {  	[tilespmem:s24], [sflag:$0x4] =	stream.indirect.gather @!p3 [hbm4b:s5+s1], $0x80, s21, s1, $0xb8;
	[tilespmem:$0x1FF00] =	vst v63  }
0x29: {  	p0 =	por p2, p5;
	s22 =	simm.s32 @!p4 $0x2;
	s21 =	simm.s32 @!p6 $0x6  }
0x2a: {  	p2 =	sge.u32 s0, s12;
	s23 =	simm.s32 @!p6 $0x280;
	_ =	swait.ge @!p6 [sflag:s21], $0x4000  }
0x2b: {  	s0 =	simm.s32 @!p6 $0x8300;
	s25 =	simm.s32 @!p2 $0x100;
	[sflag:s21] =	ssyncset.done @!p6 $0x0  }
0x2c: {  	s26 =	simm.s32 @!p6 $0x80;
	s28 =	sadd.s32 @!p2 $0x10, s16;
	[sflag:s21] =	ssyncadd.s32 @!p6 $0xFFFFC000  }
0x2d: {  	[spmem:s2] =	stream.indirect.scatter.add.f32 @!p6 [tilespmem:s0], [sflag:$0x9], $0x80, s23, s26, $0xb8;
	[tilespmem:$0x1FF00] =	vst v63  }
0x2e: {  	s21 =	sand.u32 @!p2 $0x70, s28;
	s0 =	simm.s32 @!p0 $0x8;
	s23 =	sadd.s32 @!p2 $0x0, s13  }
0x2f: {  	s21 =	sadd.s32 @!p2 s6, s21;
	_ =	swait.ge @!p0 [sflag:s0], $0x4000;
	s23 =	sadd.s32 @!p2 $0x20, s23  }
0x30: {  	s26 =	simm.s32 @!p2 $0x80;
	[sflag:s0] =	ssyncset.done @!p0 $0x0;
	s23 =	sand.u32 @!p2 $0xFFFFF00, s23  }
0x31: {  	[sflag:s0] =	ssyncadd.s32 @!p0 $0xFFFFC000;
	s0 =	simm.s32 @!p2 $0x400;
	s21 =	sadd.s32 @!p2 s23, s21  }
0x32: {  	[tilespmem:s25], [sflag:$0x2] =	stream.strided.gather @!p2 [hbm4b:s21+s26], $0x100, s0, s26, $0x38;
	[tilespmem:$0x1FF00] =	vst v63  }
0x33: {  	p0 =	sge.u32 @!p5 s3, s11;
	s23 =	simm.s32 @!p4 $0x4300;
	s21 =	simm.s32 $0x60  }
0x34: {  	s0 =	simm.s32 @!p4 $0x100;
	s25 =	simm.s32 @!p4 $0x80;
	s26 =	simm.s32 @!p3 $0x4  }
0x35: {  	p5 =	por p0, p5;
	p2 =	sge.u32 s3, s12;
	_ =	swait.ge @!p4 [sflag:s22], $0x100  }
0x36: {  	p0 =	sge.u32 s17, s7;
	s3 =	simm.s32 @!p2 $0x200;
	[sflag:s22] =	ssyncset.done @!p4 $0x0  }
0x37: {  	s30 =	simm.s32 @!p0 $0x80;
	s28 =	simm.s32 @!p2 $0x80;
	[sflag:s22] =	ssyncadd.s32 @!p4 $0xFFFFFF00  }
0x38: {  	[tilespmem:s23], [sflag:$0x5] =	stream.indirect.gather @!p4 [hbm4b:s5+s25], $0x80, s0, s25, $0xb8;
	[tilespmem:$0x1FF00] =	vst v63  }
0x39: {  	s9 =	simm.s32 @!p0 $0x8300;
	s22 =	sadd.s32 $0x3, s17;
	p4 =	sgt.u32 s17, s7  }
0x3a: {  	s23 =	sadd.s32 $0x30, s16;
	s25 =	sadd.s32 @!p2 $0x0, s13;
	_ =	swait.ge @!p3 [sflag:s26], $0x4000  }
0x3b: {  	s0 =	simm.s32 @!p5 $0x9;
	s25 =	sadd.s32 @!p2 $0x40, s25;
	[sflag:s26] =	ssyncset.done @!p3 $0x0  }
0x3c: {  	s31 =	simm.s32 @!p4 $0x5;
	[sflag:s26] =	ssyncadd.s32 @!p3 $0xFFFFC000;
	s26 =	sadd.s32 @!p2 $0x20, s16  }
0x3d: {  	[spmem:s2] =	stream.indirect.scatter.add.f32 @!p3 [tilespmem:s24], [sflag:$0x7], $0x80, s1, s1, $0xb8;
	[tilespmem:$0x1FF00] =	vst v63  }
0x3e: {  	s26 =	sand.u32 @!p2 $0x70, s26;
	s1 =	simm.s32 @!p2 $0x400;
	_ =	swait.ge @!p5 [sflag:s0], $0x4000  }
0x3f: {  	s24 =	sand.u32 @!p2 $0xFFFFF00, s25;
	s26 =	sadd.s32 @!p2 s6, s26;
	[sflag:s0] =	ssyncset.done @!p5 $0x0  }
0x40: {  	s25 =	simm.s32 @!p0 $0x3;
	s24 =	sadd.s32 @!p2 s24, s26;
	[sflag:s0] =	ssyncadd.s32 @!p5 $0xFFFFC000  }
0x41: {  	[tilespmem:s3], [sflag:$0x3] =	stream.strided.gather @!p2 [hbm4b:s24+s28], $0x100, s1, s28, $0x38;
	[tilespmem:$0x1FF00] =	vst v63  }
0x42: {  	s29 =	simm.s32 @!p4 $0x180;
	p2 =	por $0x0, $0x0;
	_ =	swait.ge @!p0 [sflag:s25], $0x100  }
0x43: {  	s26 =	simm.s32 @!p0 $0x200;
	p5 =	sge.u32 @!p2 s17, s12;
	[sflag:s25] =	ssyncset.done @!p0 $0x0  }
0x44: {  	s0 =	simm.s32 @!p4 $0x80;
	p5 =	por p5, p2;
	[sflag:s25] =	ssyncadd.s32 @!p0 $0xFFFFFF00  }
0x45: {  	[tilespmem:s9], [sflag:$0x6] =	stream.indirect.gather @!p0 [hbm4b:s5+s30], $0x80, s26, s30, $0xb8;
	[tilespmem:$0x1FF00] =	vst v63  }
0x46: {  	s28 =	simm.s32 @!p4 $0x4300;
	s3 =	sadd.s32 @!p5 $0x0, s13;
	_ =	swait.ge @!p4 [sflag:s31], $0x4000  }
0x47: {  	s1 =	sadd.s32 @!p5 $0x30, s16;
	s30 =	simm.s32 @!p3 $0x7;
	[sflag:s31] =	ssyncset.done @!p4 $0x0  }
.LBB2_2:
0x48: {  	[sflag:s31] =	ssyncadd.s32 @!p4 $0xFFFFC000;
	s9 =	simm.s32 @!p5 $0x400;
	s31 =	simm.s32 @!p5 $0x0  }
0x49: {  	s24 =	smov.u32 s21;
	s26 =	smov.u32 s22;
	s25 =	smov.u32 s23  }
0x4a: {  	[spmem:s2] =	stream.indirect.scatter.add.f32 @!p4 [tilespmem:s28], [sflag:$0x8], $0x80, s29, s0, $0xb8;
	[tilespmem:$0x1FF00] =	vst v63  }
0x4b: {  	s1 =	sand.u32 @!p5 $0x70, s1;
	s0 =	sadd.s32 @!p5 $0x60, s3;
	_ =	swait.ge @!p3 [sflag:s30], $0x4000  }
0x4c: {  	s1 =	sadd.s32 @!p5 s6, s1;
	s0 =	sand.u32 @!p5 $0xFFFFF00, s0;
	[sflag:s30] =	ssyncset.done @!p3 $0x0  }
0x4d: {  	s0 =	sadd.s32 @!p5 s0, s1;
	s1 =	simm.s32 @!p5 $0x80;
	[sflag:s30] =	ssyncadd.s32 @!p3 $0xFFFFC000  }
0x4e: {  	[tilespmem:s31], [sflag:$0x1] =	stream.strided.gather @!p5 [hbm4b:s0+s1], $0x100, s9, s1, $0x38;
	[tilespmem:$0x1FF00] =	vst v63  }
0x4f: {  	s21 =	sadd.s32 $0x60, s21;
	s0 =	sadd.s32 $0xFFFFFFFE, s22;
	p5 =	seq.s32 s24, $0x0  }
0x50: {  	p3 =	sge.u32 s0, s7;
	p0 =	sgt.u32 @!p5 s0, s7;
	p2 =	sge.u32 @!p5 s0, s11  }
0x51: {  	s30 =	sadd.s32 $0xFFFFFFFF, s22;
	s1 =	simm.s32 @!p3 $0x1;
	p6 =	por p2, p5  }
0x52: {  	s3 =	simm.s32 @!p3 $0x0;
	p2 =	por p0, p5;
	_ =	swait.ge @!p3 [sflag:s1], $0x100  }
0x53: {  	p4 =	sge.u32 s30, s7;
	s28 =	simm.s32 @!p3 $0x300;
	[sflag:s1] =	ssyncset.done @!p3 $0x0  }
0x54: {  	s29 =	simm.s32 @!p3 $0x80;
	[sflag:s1] =	ssyncadd.s32 @!p3 $0xFFFFFF00;
	s1 =	simm.s32 @!p4 $0x2  }
0x55: {  	[tilespmem:s28], [sflag:$0x4] =	stream.indirect.gather @!p3 [hbm4b:s5+s29], $0x80, s3, s29, $0xb8;
	[tilespmem:$0x1FF00] =	vst v63  }
0x56: {  	p0 =	sge.u32 s0, s12;
	s9 =	simm.s32 @!p2 $0x280;
	s3 =	simm.s32 @!p2 $0x6  }
0x57: {  	s0 =	simm.s32 @!p2 $0x8300;
	s31 =	simm.s32 @!p0 $0x100;
	_ =	swait.ge @!p2 [sflag:s3], $0x4000  }
0x58: {  	s10 =	simm.s32 @!p2 $0x80;
	s8 =	sadd.s32 @!p0 $0x10, s23;
	[sflag:s3] =	ssyncset.done @!p2 $0x0  }
0x59: {  	s8 =	sand.u32 @!p0 $0x70, s8;
	[sflag:s3] =	ssyncadd.s32 @!p2 $0xFFFFC000;
	s3 =	simm.s32 @!p6 $0x8  }
0x5a: {  	[spmem:s2] =	stream.indirect.scatter.add.f32 @!p2 [tilespmem:s0], [sflag:$0x9], $0x80, s9, s10, $0xb8;
	[tilespmem:$0x1FF00] =	vst v63  }
0x5b: {  	s8 =	sadd.s32 @!p0 s6, s8;
	s0 =	sadd.s32 @!p0 s24, s13;
	_ =	swait.ge @!p6 [sflag:s3], $0x4000  }
0x5c: {  	s9 =	simm.s32 @!p0 $0x80;
	s0 =	sadd.s32 @!p0 $0x20, s0;
	[sflag:s3] =	ssyncset.done @!p6 $0x0  }
0x5d: {  	s0 =	sand.u32 @!p0 $0xFFFFF00, s0;
	[sflag:s3] =	ssyncadd.s32 @!p6 $0xFFFFC000;
	s3 =	simm.s32 @!p0 $0x400  }
0x5e: {  	p2 =	sge.u32 @!p5 s30, s11;
	s0 =	sadd.s32 @!p0 s0, s8;
	p6 =	sne.s32 s21, $0xA20  }
0x5f: {  	[tilespmem:s31], [sflag:$0x2] =	stream.strided.gather @!p0 [hbm4b:s0+s9], $0x100, s3, s9, $0x38;
	[tilespmem:$0x1FF00] =	vst v63  }
0x60: {  	s0 =	simm.s32 @!p4 $0x100;
	s3 =	simm.s32 @!p4 $0x4300;
	_ =	swait.ge @!p4 [sflag:s1], $0x100  }
0x61: {  	s8 =	simm.s32 @!p4 $0x80;
	s9 =	simm.s32 @!p3 $0x4;
	[sflag:s1] =	ssyncset.done @!p4 $0x0  }
0x62: {  	s22 =	sadd.s32 $0x3, s22;
	[sflag:s1] =	ssyncadd.s32 @!p4 $0xFFFFFF00  }
0x63: {  	[tilespmem:s3], [sflag:$0x5] =	stream.indirect.gather @!p4 [hbm4b:s5+s8], $0x80, s0, s8, $0xb8;
	[tilespmem:$0x1FF00] =	vst v63  }
0x64: {  	s23 =	sadd.s32 $0x30, s23;
	p4 =	sgt.u32 s26, s7;
	_ =	swait.ge @!p3 [sflag:s9], $0x4000  }
0x65: {  	p2 =	por p2, p5;
	p0 =	sge.u32 s30, s12;
	[sflag:s9] =	ssyncset.done @!p3 $0x0  }
0x66: {  	s1 =	simm.s32 @!p0 $0x200;
	s0 =	simm.s32 @!p2 $0x9;
	[sflag:s9] =	ssyncadd.s32 @!p3 $0xFFFFC000  }
0x67: {  	p5 =	sge.u32 s26, s7;
	s3 =	sadd.s32 @!p0 s24, s13;
	s8 =	sadd.s32 @!p0 $0x20, s25  }
0x68: {  	s3 =	sadd.s32 @!p0 $0x40, s3;
	s8 =	sand.u32 @!p0 $0x70, s8;
	s9 =	simm.s32 @!p5 $0x80  }
0x69: {  	s10 =	simm.s32 @!p0 $0x80;
	s30 =	simm.s32 @!p0 $0x400;
	s8 =	sadd.s32 @!p0 s6, s8  }
0x6a: {  	[spmem:s2] =	stream.indirect.scatter.add.f32 @!p3 [tilespmem:s28], [sflag:$0x7], $0x80, s29, s29, $0xb8;
	[tilespmem:$0x1FF00] =	vst v63  }
0x6b: {  	s14 =	simm.s32 @!p5 $0x3;
	s3 =	sand.u32 @!p0 $0xFFFFF00, s3;
	_ =	swait.ge @!p2 [sflag:s0], $0x4000  }
0x6c: {  	s3 =	sadd.s32 @!p0 s3, s8;
	s8 =	simm.s32 @!p5 $0x200;
	[sflag:s0] =	ssyncset.done @!p2 $0x0  }
0x6d: {  	s15 =	simm.s32 @!p5 $0x8300;
	s28 =	simm.s32 @!p4 $0x4300;
	[sflag:s0] =	ssyncadd.s32 @!p2 $0xFFFFC000  }
0x6e: {  	[tilespmem:s1], [sflag:$0x3] =	stream.strided.gather @!p0 [hbm4b:s3+s10], $0x100, s30, s10, $0x38;
	[tilespmem:$0x1FF00] =	vst v63  }
0x6f: {  	s31 =	simm.s32 @!p4 $0x5;
	s29 =	simm.s32 @!p4 $0x180;
	_ =	swait.ge @!p5 [sflag:s14], $0x100  }
.Ltmp0:
0x70: {  	p0 =	seq.s32 s24, $0x9C0;
	[sflag:s14] =	ssyncset.done @!p5 $0x0;
	(pc) =	sbr.rel @p6 .LBB2_2-.Ltmp0, $4  }
0x71: {  	s0 =	simm.s32 @!p4 $0x80;
	p2 =	sge.u32 @!p0 s26, s12;
	[sflag:s14] =	ssyncadd.s32 @!p5 $0xFFFFFF00  }
0x72: {  	[tilespmem:s15], [sflag:$0x6] =	stream.indirect.gather @!p5 [hbm4b:s5+s9], $0x80, s8, s9, $0xb8;
	[tilespmem:$0x1FF00] =	vst v63  }
0x73: {  	s30 =	simm.s32 @!p3 $0x7;
	p5 =	por p2, p0;
	_ =	swait.ge @!p4 [sflag:s31], $0x4000  }
0x74: {  	s3 =	sadd.s32 @!p5 s24, s13;
	s1 =	sadd.s32 @!p5 $0x30, s25;
	[sflag:s31] =	ssyncset.done @!p4 $0x0  }
0x75: {  	[sflag:s31] =	ssyncadd.s32 @!p4 $0xFFFFC000;
	s8 =	simm.s32 @!p5 $0x400;
	s9 =	simm.s32 @!p5 $0x0  }
0x76: {  	[spmem:s2] =	stream.indirect.scatter.add.f32 @!p4 [tilespmem:s28], [sflag:$0x8], $0x80, s29, s0, $0xb8;
	[tilespmem:$0x1FF00] =	vst v63  }
0x77: {  	s1 =	sand.u32 @!p5 $0x70, s1;
	s0 =	sadd.s32 @!p5 $0x60, s3;
	_ =	swait.ge @!p3 [sflag:s30], $0x4000  }
0x78: {  	s1 =	sadd.s32 @!p5 s6, s1;
	s0 =	sand.u32 @!p5 $0xFFFFF00, s0;
	[sflag:s30] =	ssyncset.done @!p3 $0x0  }
0x79: {  	s0 =	sadd.s32 @!p5 s0, s1;
	s1 =	simm.s32 @!p5 $0x80;
	[sflag:s30] =	ssyncadd.s32 @!p3 $0xFFFFC000  }
0x7a: {  	[tilespmem:s9], [sflag:$0x1] =	stream.strided.gather @!p5 [hbm4b:s0+s1], $0x100, s8, s1, $0x38;
	[tilespmem:$0x1FF00] =	vst v63  }
0x7b: {  	s0 =	simm.s32 @!p1 $0x6  }
0x7c: {  	_ =	swait.ge @!p1 [sflag:s0], $0x4000  }
0x7d: {  	s3 =	simm.s32 @!p1 $0x8300;
	[sflag:s0] =	ssyncset.done @!p1 $0x0;
	s28 =	sld [smem:$0x7FD]  }
0x7e: {  	s1 =	simm.s32 @!p1 $0x280;
	[sflag:s0] =	ssyncadd.s32 @!p1 $0xFFFFC000;
	s0 =	simm.s32 @!p1 $0x80  }
0x7f: {  	[spmem:s2] =	stream.indirect.scatter.add.f32 @!p1 [tilespmem:s3], [sflag:$0x9], $0x80, s1, s0, $0xb8;
	[tilespmem:$0x1FF00] =	vst v63  }
0x80: {  	p0 =	seq.s32 s28, $0x1  }
0x81: {  	s0 =	simm.s32 @!p0 $0x8  }
0x82: {  	_ =	swait.ge @!p0 [sflag:s0], $0x4000  }
0x83: {  	[sflag:s0] =	ssyncset.done @!p0 $0x0  }
0x84: {  	[sflag:s0] =	ssyncadd.s32 @!p0 $0xFFFFC000;
	s0 =	simm.s32 @!p1 $0x9  }
0x85: {  	_ =	swait.ge @!p1 [sflag:s0], $0x4000  }
0x86: {  	[sflag:s0] =	ssyncset.done @!p1 $0x0  }
0x87: {  	[sflag:s0] =	ssyncadd.s32 @!p1 $0xFFFFC000  }
0x88: {  	[bflag:$0x0] =	sbarrier.arrive $0xFFFF  }
0x89: {  	s29 =	rddreg [dreg:$0x4]  }
0x8a: {  	s30 =	rddreg [dreg:$0x7];
	s0 =	sor.u32 $0x1C0B, s29  }
0x8b: {  	[hbm:s30], [sflag:s0] =	dma.local [spmem:s18], $0x2780  }
0x8c: {  	_ =	swait.ge [sflag:s20], $0x2780  }
0x8d: {  	s4 =	sadd.s32 $0x1, s4;
	s31 =	rddreg [dreg:$0x8]  }
0x8e: {  	p0 =	sne.s32 s4, s31  }
.Ltmp1:
0x8f: {  	_ = 	snop;
	(pc) =	sbr.rel @p0 .LBB2_1-.Ltmp1, $3  }
0x90: {  	_ =	sdelay $0x1  }
0x91: {  	[sflag:s20] =	ssyncset.done $0x0  }
0x92: {  	[sflag:s20] =	ssyncadd.s32 $0xFFFFD880  }
0x93: {  	_ =	sfence.sel $0x180000  }
0x94: {  	[bflag:$0x0] =	sbarrier.arrive $0xFFFF  }
0x95: {  	_ =	strace $0x9000004A  }
0x96: {  	s0 =	stileid.u32;
	[bflag:$0x2] =	sbarrier.arrive $0xFFFF  }
0x97: {  	p0 =	sne.s32 s0, $0x0;
	s0 =	rddreg [dreg:$0x3]  }
0x98: {  	s0 =	sadd.s32 @!p0 $0x100000, s0  }
0x99: {  	[sflag:s0] =	ssyncadd.tile.s32 @!p0 $0x1;
	_ =	shalt  }
.Lfunc_end2:
_tile_overlayer_lowered:
.L_overlay_start_2:
0x9a: {  	(tag) =	ssettag $0x2  }
0x9b: {  	s0 =	rddreg [dreg:$0x0];
	s2 =	stileid.u32  }
0x9c: {  	s1 =	rddreg [dreg:$0x1];
	p0 =	sne.s32 s2, $0x0  }
0x9d: {  	s3 =	rddreg [dreg:$0x2];
	[bflag:$0x3] =	sbarrier.arrive $0xFFFF;
	s2 =	simm.s32 @!p0 $0x1C0B  }
0x9e: {  	[timem:s3], [sflag:s2] =	dma.local @!p0 [hbm:s0], s1  }
0x9f: {  	s0 =	simm.s32 @!p0 $0xB  }
0xa0: {  	_ =	swait.ge @!p0 [sflag:s0], s1  }
0xa1: {  	s1 =	ssub.s32 @!p0 $0x0, s1;
	[sflag:s0] =	ssyncset.done @!p0 $0x0  }
0xa2: {  	[sflag:s0] =	ssyncadd.s32 @!p0 s1  }
0xa3: {  	[bflag:$0x3] =	sbarrier.arrive $0xFFFF  }
0xa4: {  	_ =	shalt  }

// kernel: kernel.14.cloned.1.call-start
scs
__scs_entry_jumppad:
0x0: {  	(pc) =	sbr.rel $0x88, $3  }
0x1: {  	(tag) =	ssettag $0x0;
	lr =	simm.s32 $0x1  }
0x2: {  	[smem:$0x3F9B] =	sst lr;
	_ =	strace $0xD0000000  }
0x3: {  	_ = 	snop  }
0x4: {  	_ = 	snop  }
0x5: {  	_ = 	snop  }
0x6: {  	_ = 	snop  }
0x7: {  	_ = 	snop  }
__scs_overlays_trampoline_lowered:
0x8: {  	[smem:$0x3FAA] =	sst s0  }
0x9: {  	[smem:$0x3FAB] =	sst s1  }
0xa: {  	[smem:$0x3FAC] =	sst s2  }
0xb: {  	[smem:$0x3FAD] =	sst s3  }
0xc: {  	[smem:$0x3FAE] =	sst s4  }
0xd: {  	[smem:$0x3FAF] =	sst s5  }
0xe: {  	[smem:$0x3FB0] =	sst s6  }
0xf: {  	[smem:$0x3FB1] =	sst s7  }
0x10: {  	[smem:$0x3FB2] =	sst s8  }
0x11: {  	[smem:$0x3FB3] =	sst s9;
	s0 =	simm.s32 @!p0 $0x0  }
0x12: {  	s1 =	sld [smem:$0x3F99];
	s0 =	simm.s32 @p0 $0x1  }
0x13: {  	[smem:$0x3FB4] =	sst s0;
	s0 =	simm.s32 @!p1 $0x0  }
0x14: {  	s2 =	sld [smem:$0x3F98];
	s0 =	simm.s32 @p1 $0x1  }
0x15: {  	[smem:$0x3FB5] =	sst s0;
	s0 =	simm.s32 @!p2 $0x0  }
0x16: {  	s3 =	sld [smem:$0x3FDB];
	s0 =	simm.s32 @p2 $0x1  }
0x17: {  	s4 =	simm.s32 $0x1BF5;
	[smem:$0x3FB7] =	sst s0  }
0x18: {  	s0 =	sld [smem:$0x3F9A];
	_ =	swait.ge [sflag:s4], $0x0  }
0x19: {  	s7 =	sld [smem:$0x3F9B]  }
0x1a: {  	s8 =	sadd.s32 $0xFFFFE003, lr  }
0x1b: {  	s9 =	sadd.s32 $0xFFFFFEF7, lr;
	s5 =	simm.s32 $0xFFFFFFFF;
	p2 =	slt.u32 s8, $0xFFFFF086  }
0x1c: {  	p1 =	slt.u32 s9, $0xF7A;
	s5 =	simm.s32 @!p2 $0x0  }
0x1d: {  	s5 =	simm.s32 @p1 $0x1;
	p0 =	seq.s32 s7, s2  }
0x1e: {  	s7 =	smul.u32 @!p0 $0xF7A, s2;
	p2 =	seq.s32 @!p0 s5, $0x0  }
0x1f: {  	s9 =	smul.u32 $0xF7A, s1;
	s8 =	simm.s32 @!p0 $0x1BF5;
	p2 =	por !p2, p0  }
0x20: {  	[sflag:s8] =	ssyncset.s32 @!p0 $0xFFFFF086;
	s6 =	sadd.s32 @!p0 s3, s7;
	s7 =	simm.s32 @!p0 $0x108  }
0x21: {  	s3 =	sadd.s32 s3, s9;
	s6 =	sadd.s32 @!p0 $0x88, s6;
	s7 =	simm.s32 @p2 $0x1082  }
0x22: {  	[simem:s7], [sflag:s8] =	dma.local @!p0 [hbm:s6], $0xF7A  }
0x23: {  	s9 =	sor.u32 $0xD0000000, s2;
	s6 =	simm.s32 $0x108;
	_ =	swait.ge @!p0 [sflag:s8], $0x0  }
0x24: {  	s3 =	sadd.s32 $0x88, s3;
	s6 =	simm.s32 @!p1 $0x1082;
	[sflag:s4] =	ssyncset.s32 $0xFFFFF086  }
0x25: {  	[simem:s6], [sflag:s4] =	dma.local [hbm:s3], $0xF7A  }
0x26: {  	[smem:$0x3F9B] =	sst s1;
	(tag) =	ssettag s2;
	_ =	strace s9  }
0x27: {  	s1 =	sld [smem:$0x3FAB]  }
0x28: {  	s2 =	sld [smem:$0x3FAC]  }
0x29: {  	s4 =	sld [smem:$0x3FAE]  }
0x2a: {  	p0 =	seq.s32 s5, $0x0;
	s5 =	sld [smem:$0x3FAF]  }
0x2b: {  	s6 =	sld [smem:$0x3FB0]  }
0x2c: {  	s7 =	sld [smem:$0x3FB1]  }
0x2d: {  	s3 =	simm.s32 $0x108;
	s8 =	sld [smem:$0x3FB2]  }
0x2e: {  	s3 =	simm.s32 @!p0 $0x1082;
	s9 =	sld [smem:$0x3FB3]  }
0x2f: {  	lr =	sadd.s32 s0, s3;
	s0 =	sld [smem:$0x3FAA]  }
0x30: {  	s3 =	sld [smem:$0x3FAD]  }
0x31: {  	[smem:$0x3FB6] =	sst s10  }
0x32: {  	s10 =	sld [smem:$0x3FB4];
	_ =	sdelay $0x3  }
0x33: {  	p0 =	seq.s32 s10, $0x1;
	s10 =	sld [smem:$0x3FB6];
	_ =	sdelay $0x3  }
0x34: {  	[smem:$0x3FB6] =	sst s10  }
0x35: {  	s10 =	sld [smem:$0x3FB5];
	_ =	sdelay $0x3  }
0x36: {  	p1 =	seq.s32 s10, $0x1;
	s10 =	sld [smem:$0x3FB6];
	_ =	sdelay $0x3  }
0x37: {  	[smem:$0x3FB6] =	sst s10  }
0x38: {  	s10 =	sld [smem:$0x3FB7]  }
0x39: {  	_ = 	snop;
	(pc) =	sbr.ind lr, $3  }
0x3a: {  	_ = 	snop  }
0x3b: {  	_ = 	snop  }
0x3c: {  	p2 =	seq.s32 s10, $0x1;
	s10 =	sld [smem:$0x3FB6]  }
0x3d: {  	_ =	shalt  }
0x3e: {  	_ =	shalt  }
0x3f: {  	_ =	shalt  }
0x40: {  	_ =	shalt  }
0x41: {  	_ =	shalt  }
0x42: {  	_ =	shalt  }
0x43: {  	_ =	shalt  }
0x44: {  	_ =	shalt  }
0x45: {  	_ =	shalt  }
0x46: {  	_ =	shalt  }
0x47: {  	_ =	shalt  }
0x48: {  	_ =	shalt  }
0x49: {  	_ =	shalt  }
0x4a: {  	_ =	shalt  }
0x4b: {  	_ =	shalt  }
0x4c: {  	_ =	shalt  }
0x4d: {  	_ =	shalt  }
0x4e: {  	_ =	shalt  }
0x4f: {  	_ =	shalt  }
0x50: {  	_ =	shalt  }
0x51: {  	_ =	shalt  }
0x52: {  	_ =	shalt  }
0x53: {  	_ =	shalt  }
0x54: {  	_ =	shalt  }
0x55: {  	_ =	shalt  }
0x56: {  	_ =	shalt  }
0x57: {  	_ =	shalt  }
0x58: {  	_ =	shalt  }
0x59: {  	_ =	shalt  }
0x5a: {  	_ =	shalt  }
0x5b: {  	_ =	shalt  }
0x5c: {  	_ =	shalt  }
0x5d: {  	_ =	shalt  }
0x5e: {  	_ =	shalt  }
0x5f: {  	_ =	shalt  }
0x60: {  	_ =	shalt  }
0x61: {  	_ =	shalt  }
0x62: {  	_ =	shalt  }
0x63: {  	_ =	shalt  }
0x64: {  	_ =	shalt  }
0x65: {  	_ =	shalt  }
0x66: {  	_ =	shalt  }
0x67: {  	_ =	shalt  }
0x68: {  	_ =	shalt  }
0x69: {  	_ =	shalt  }
0x6a: {  	_ =	shalt  }
0x6b: {  	_ =	shalt  }
0x6c: {  	_ =	shalt  }
0x6d: {  	_ =	shalt  }
0x6e: {  	_ =	shalt  }
0x6f: {  	_ =	shalt  }
0x70: {  	_ =	shalt  }
0x71: {  	_ =	shalt  }
0x72: {  	_ =	shalt  }
0x73: {  	_ =	shalt  }
0x74: {  	_ =	shalt  }
0x75: {  	_ =	shalt  }
0x76: {  	_ =	shalt  }
0x77: {  	_ =	shalt  }
0x78: {  	_ =	shalt  }
0x79: {  	_ =	shalt  }
0x7a: {  	_ =	shalt  }
0x7b: {  	_ =	shalt  }
0x7c: {  	_ =	shalt  }
0x7d: {  	_ =	shalt  }
0x7e: {  	_ =	shalt  }
0x7f: {  	_ =	shalt  }
0x80: {  	_ =	shalt  }
0x81: {  	_ =	shalt  }
0x82: {  	_ =	shalt  }
0x83: {  	_ =	shalt  }
0x84: {  	_ =	shalt  }
0x85: {  	_ =	shalt  }
0x86: {  	_ =	shalt  }
0x87: {  	_ =	shalt  }
.Lfunc_end0:
.L_simem_size_0:
called_computation.2_lowered:
.L_overlay_start_0:
0x88: {  	s2 =	sld [smem:$0x3FD9]  }
0x89: {  	s3 =	sld [smem:$0x3FFE];
	_ =	sdelay $0x1  }
0x8a: {  	s1 =	srdreg.scid  }
0x8b: {  	s0 =	sand.u32 $0x1, s1  }
0x8c: {  	s17 =	sshll.u32 s0, $0xA;
	s2 =	sadd.s32 s3, s2  }
0x8d: {  	s2 =	sadd.s32 s2, s17  }
0x8e: {  	[smem:$0x3FC2] =	sst s2  }
0x8f: {  	_ = 	snop  }
0x90: {  	s2 =	sld [smem:$0x3FD0];
	(tm) =	ssettm $0x1  }
0x91: {  	s18 =	sld [smem:$0x3FFB];
	_ =	sdelay $0x3  }
0x92: {  	_ =	strace s18  }
0x93: {  	s3 =	sld [smem:$0x3FFC];
	_ =	sdelay $0x3  }
0x94: {  	_ =	strace s3  }
0x95: {  	s3 =	sld [smem:$0x3FFD];
	_ =	sdelay $0x3  }
0x96: {  	_ =	strace s3  }
0x97: {  	_ =	strace $0x8FFFFFFF  }
0x98: {  	s19 =	sld [smem:$0x3FDB];
	_ =	sdelay $0x1  }
0x99: {  	s4 =	simm.s32 $_scs_section_size  }
0x9a: {  	s5 =	simm.s32 $_size__tile_overlayer_lowered;
	s6 =	simm.s32 $_tile_overlayer_lowered  }
0x9b: {  	s22 =	simm.s32 $0x1BFF;
	s21 =	sshll.u32 s6, $0x1;
	s3 =	sadd.s32 s4, s19  }
0x9c: {  	s7 =	simm.s32 $0x0;
	s20 =	sshll.u32 s5, $0x1;
	s5 =	sadd.s32 s21, s3  }
0x9d: {  	[timem:s7], [sflag:s22] =	dma.local [hbm:s5], s20  }
0x9e: {  	_ =	swait.ge [sflag:s22], s20  }
0x9f: {  	s4 =	ssub.s32 $0x0, s20;
	[sflag:s22] =	ssyncset.done $0x0  }
0xa0: {  	[sflag:s22] =	ssyncadd.s32 s4;
	_ =	sdelay $0x1  }
0xa1: {  	s23 =	simm.s32 $0x1B8B  }
0xa2: {  	_ =	swait.ge [sflag:s23], $0x1  }
0xa3: {  	[sflag:s23] =	ssyncset.done $0x0  }
0xa4: {  	s25 =	simm.s32 $0x1B8E;
	s24 =	sld [smem:$0x3FFE];
	[sflag:s23] =	ssyncadd.s32 $0xFFFFFFFF  }
0xa5: {  	s26 =	simm.s32 $execute0_lowered;
	[smem:$0x3FD2] =	sst s25  }
0xa6: {  	s5 =	sshll.u32 s26, $0x1;
	_ =	strace $0x8000004C;
	[dreg:$0x1] =	wrdreg $0xFFFFFFFF  }
0xa7: {  	s28 =	simm.s32 $_size_execute0_lowered;
	s3 =	sadd.s32 s3, s5;
	[dreg:$0x0] =	wrdreg $0x0  }
0xa8: {  	s5 =	sshll.u32 s28, $0x1;
	[dreg:$0x2] =	wrdreg s3  }
0xa9: {  	[dreg:$0x3] =	wrdreg s5  }
0xaa: {  	[dreg:$0x4] =	wrdreg $0xC0  }
0xab: {  	_ =	task [dreg:s7], $0x5FFFF  }
0xac: {  	[dreg:$0x1] =	wrdreg $0xFFFFFFFF  }
0xad: {  	[dreg:$0x0] =	wrdreg $0x60  }
0xae: {  	[dreg:$0x2] =	wrdreg s24  }
0xaf: {  	[dreg:$0x3] =	wrdreg s2  }
0xb0: {  	[dreg:$0x4] =	wrdreg $0xC3000  }
0xb1: {  	[dreg:$0x5] =	wrdreg $0x9  }
0xb2: {  	_ =	task.clear_ibuf [dreg:s7], $0x6FFFF;
	_ =	strace $0x9000004C  }
0xb3: {  	s29 =	simm.s32 $0x9;
	_ =	strace $0x8000004E  }
0xb4: {  	_ =	swait.ge [sflag:s29], $0x1  }
0xb5: {  	[sflag:s29] =	ssyncadd.s32 $0xFFFFFFFF  }
0xb6: {  	_ =	strace $0x9000004E  }
0xb7: {  	_ =	sfence  }
0xb8: {  	s30 =	sld [smem:$0x0];
	_ =	sdelay $0x2  }
0xb9: {  	s31 =	sshll.u32 s1, $0xD;
	s1 =	sshrl.u32 s1, $0x2  }
0xba: {  	s3 =	sand.u32 $0x4000, s31;
	s1 =	sadd.s32 s1, s30  }
0xbb: {  	s0 =	sor.u32 s3, s0;
	s1 =	sshll.u32 s1, $0x11  }
0xbc: {  	s0 =	sor.u32 s1, s0  }
0xbd: {  	s0 =	sadd.s32 $0x8F2B, s0  }
0xbe: {  	[sflag:s0] =	ssyncadd.remote.s32 $0x1  }
0xbf: {  	_ =	sfence.sel $0xFFFF  }
0xc0: {  	[dreg:$0x0] =	wrdreg $0xFFFFFFFF;
	(pc) =	sbr.abs _section_cstart, $3  }
0xc1: {  	[dreg:$0x1] =	wrdreg $0xFFFFFFFF  }
0xc2: {  	_ =	task.clear_ibuf [dreg:s7], $0x2FFFF;
	_ =	strace $0x9FFFFFFF  }
0xc3: {  	(tm) =	ssettm $0x7FFFFFFF  }
tec
execute0_lowered:
.L_overlay_start_1:
0x0: {  	(tag) =	ssettag $0x1  }
0x1: {  	s11 =	stileid.u32  }
0x2: {  	s7 =	smul.u32 $0x13C00, s11  }
0x3: {  	s0 =	rddreg [dreg:$0x0];
	s9 =	smul.u32 $0x4F000, s11  }
0x4: {  	s2 =	rddreg [dreg:$0x2];
	s13 =	smul.u32 $0x1440, s11  }
0x5: {  	s1 =	srdreg.scid;
	s16 =	smul.u32 $0xA20, s11  }
0x6: {  	s4 =	simm.s32 $0x0;
	s1 =	sand.u32 $0x1, s1;
	s15 =	smul.u32 $0xA2, s11  }
0x7: {  	[smem:$0x7FF] =	sst s4;
	s5 =	sadd.s32 $0x2E00, s0;
	s3 =	smul.u32 $0x13C000, s1  }
0x8: {  	s8 =	sshll.u32 s11, $0x1;
	s6 =	sadd.s32 $0x2B400, s0;
	s14 =	smul.u32 $0xA20, s1  }
0x9: {  	s29 =	sshll.u32 s11, $0x6;
	_ =	strace $0x8000004D;
	s17 =	smul.u32 $0x51, s1  }
0xa: {  	s8 =	sor.u32 s1, s8;
	s25 =	ssub.s32 $0x2, s1;
	s1 =	smul.u32 $0x510, s1  }
0xb: {  	[dreg:$0x4] =	wrdreg s29;
	s18 =	smul.u32 $0x51, s8;
	s26 =	sshrl.u32 s25, $0x1  }
0xc: {  	s10 =	smul.u32 $0x5100, s8;
	s9 =	sshrl.u32 s9, $0x2;
	s8 =	sshll.u32 s8, $0x7  }
0xd: {  	s3 =	sadd.s32 s7, s3;
	s8 =	sand.u32 $0x380, s8;
	s19 =	sadd.s32 s9, s2  }
0xe: {  	s13 =	sadd.s32 s14, s13;
	s17 =	sadd.s32 s17, s15;
	s16 =	sadd.s32 s1, s16  }
0xf: {  	s3 =	sshrl.u32 s3, $0x3;
	s12 =	smin.u32 s18, $0x973;
	s10 =	sand.u32 $0xFF800, s10  }
0x10: {  	s20 =	sadd.s32 $0x50, s18;
	s21 =	sadd.s32 $0x4F, s18;
	s17 =	sadd.s32 $0x2, s17  }
0x11: {  	s0 =	sadd.s32 s3, s0;
	s3 =	ssub.s32 s25, s26;
	s7 =	sadd.s32 $0x51, s12  }
0x12: {  	s28 =	sor.u32 s8, s10;
	s8 =	sor.u32 $0x1C0A, s29;
	s11 =	sadd.s32 $0x53, s12  }
0x13: {  	s12 =	sadd.s32 $0x50, s12;
	s10 =	sshrl.u32 s28, $0x3;
	[dreg:$0x5] =	wrdreg s8  }
0x14: {  	s0 =	sadd.s32 $0x67000, s0;
	s31 =	smax.u32 s3, $0x1;
	p0 =	sge.u32 s18, s7  }
0x15: {  	s18 =	sshrl.u32 s19, $0x3;
	[dreg:$0x7] =	wrdreg s0;
	s0 =	simm.s32 @!p0 $0x0  }
0x16: {  	[dreg:$0x8] =	wrdreg s31;
	s0 =	simm.s32 @p0 $0x1;
	p0 =	sge.u32 s21, s7  }
0x17: {  	s30 =	sadd.s32 s6, s10;
	[smem:$0x7FC] =	sst s0;
	s0 =	simm.s32 @!p0 $0x0  }
0x18: {  	s19 =	simm.s32 $0xA;
	[dreg:$0x6] =	wrdreg s30;
	s0 =	simm.s32 @p0 $0x1  }
0x19: {  	p1 =	sge.u32 s20, s7;
	s20 =	simm.s32 $0xB;
	[smem:$0x7FD] =	sst s0  }
.LBB2_1:
0x1a: {  	s0 =	rddreg [dreg:$0x1]  }
0x1b: {  	s1 =	rddreg [dreg:$0x5]  }
0x1c: {  	[spmem:s18], [sflag:s1] =	dma.local [hbm:s0], $0x2780  }
0x1d: {  	s0 =	sld [smem:$0x7FC];
	_ =	sdelay $0x2  }
0x1e: {  	s8 =	rddreg [dreg:$0x6];
	p0 =	seq.s32 s0, $0x1  }
0x1f: {  	s0 =	simm.s32 @!p0 $0x80;
	s1 =	simm.s32 @!p0 $0x400;
	s3 =	simm.s32 @!p0 $0x0  }
0x20: {  	[tilespmem:s3], [sflag:$0x1] =	stream.strided.gather @!p0 [hbm4b:s8+s0], $0x100, s1, s0, $0x38;
	[tilespmem:$0x1FF00] =	vst v63  }
0x21: {  	_ =	swait.ge [sflag:s19], $0x2780  }
0x22: {  	p5 =	por $0x1, $0x1;
	s0 =	sadd.s32 $0xFFFFFFFE, s17;
	[sflag:s19] =	ssyncset.done $0x0  }
0x23: {  	s3 =	sadd.s32 $0xFFFFFFFF, s17;
	p3 =	sge.u32 s0, s7;
	[sflag:s19] =	ssyncadd.s32 $0xFFFFD880  }
0x24: {  	p0 =	sgt.u32 @!p5 s0, s7;
	s1 =	simm.s32 @!p3 $0x1;
	[bflag:$0x0] =	sbarrier.arrive $0xFFFF  }
0x25: {  	p2 =	sge.u32 @!p5 s0, s11;
	p4 =	sge.u32 s3, s7;
	_ =	swait.ge @!p3 [sflag:s1], $0x100  }
0x26: {  	s21 =	simm.s32 @!p3 $0x0;
	p6 =	por p0, p5;
	[sflag:s1] =	ssyncset.done @!p3 $0x0  }
0x27: {  	s24 =	simm.s32 @!p3 $0x300;
	[sflag:s1] =	ssyncadd.s32 @!p3 $0xFFFFFF00;
	s1 =	simm.s32 @!p3 $0x80  }
0x28: {  	[tilespmem:s24], [sflag:$0x4] =	stream.indirect.gather @!p3 [hbm4b:s5+s1], $0x80, s21, s1, $0xb8;
	[tilespmem:$0x1FF00] =	vst v63  }
0x29: {  	p0 =	por p2, p5;
	s22 =	simm.s32 @!p4 $0x2;
	s21 =	simm.s32 @!p6 $0x6  }
0x2a: {  	p2 =	sge.u32 s0, s12;
	s23 =	simm.s32 @!p6 $0x280;
	_ =	swait.ge @!p6 [sflag:s21], $0x4000  }
0x2b: {  	s0 =	simm.s32 @!p6 $0x8300;
	s25 =	simm.s32 @!p2 $0x100;
	[sflag:s21] =	ssyncset.done @!p6 $0x0  }
0x2c: {  	s26 =	simm.s32 @!p6 $0x80;
	s28 =	sadd.s32 @!p2 $0x10, s16;
	[sflag:s21] =	ssyncadd.s32 @!p6 $0xFFFFC000  }
0x2d: {  	[spmem:s2] =	stream.indirect.scatter.add.f32 @!p6 [tilespmem:s0], [sflag:$0x9], $0x80, s23, s26, $0xb8;
	[tilespmem:$0x1FF00] =	vst v63  }
0x2e: {  	s21 =	sand.u32 @!p2 $0x70, s28;
	s0 =	simm.s32 @!p0 $0x8;
	s23 =	sadd.s32 @!p2 $0x0, s13  }
0x2f: {  	s21 =	sadd.s32 @!p2 s6, s21;
	_ =	swait.ge @!p0 [sflag:s0], $0x4000;
	s23 =	sadd.s32 @!p2 $0x20, s23  }
0x30: {  	s26 =	simm.s32 @!p2 $0x80;
	[sflag:s0] =	ssyncset.done @!p0 $0x0;
	s23 =	sand.u32 @!p2 $0xFFFFF00, s23  }
0x31: {  	[sflag:s0] =	ssyncadd.s32 @!p0 $0xFFFFC000;
	s0 =	simm.s32 @!p2 $0x400;
	s21 =	sadd.s32 @!p2 s23, s21  }
0x32: {  	[tilespmem:s25], [sflag:$0x2] =	stream.strided.gather @!p2 [hbm4b:s21+s26], $0x100, s0, s26, $0x38;
	[tilespmem:$0x1FF00] =	vst v63  }
0x33: {  	p0 =	sge.u32 @!p5 s3, s11;
	s23 =	simm.s32 @!p4 $0x4300;
	s21 =	simm.s32 $0x60  }
0x34: {  	s0 =	simm.s32 @!p4 $0x100;
	s25 =	simm.s32 @!p4 $0x80;
	s26 =	simm.s32 @!p3 $0x4  }
0x35: {  	p5 =	por p0, p5;
	p2 =	sge.u32 s3, s12;
	_ =	swait.ge @!p4 [sflag:s22], $0x100  }
0x36: {  	p0 =	sge.u32 s17, s7;
	s3 =	simm.s32 @!p2 $0x200;
	[sflag:s22] =	ssyncset.done @!p4 $0x0  }
0x37: {  	s30 =	simm.s32 @!p0 $0x80;
	s28 =	simm.s32 @!p2 $0x80;
	[sflag:s22] =	ssyncadd.s32 @!p4 $0xFFFFFF00  }
0x38: {  	[tilespmem:s23], [sflag:$0x5] =	stream.indirect.gather @!p4 [hbm4b:s5+s25], $0x80, s0, s25, $0xb8;
	[tilespmem:$0x1FF00] =	vst v63  }
0x39: {  	s9 =	simm.s32 @!p0 $0x8300;
	s22 =	sadd.s32 $0x3, s17;
	p4 =	sgt.u32 s17, s7  }
0x3a: {  	s23 =	sadd.s32 $0x30, s16;
	s25 =	sadd.s32 @!p2 $0x0, s13;
	_ =	swait.ge @!p3 [sflag:s26], $0x4000  }
0x3b: {  	s0 =	simm.s32 @!p5 $0x9;
	s25 =	sadd.s32 @!p2 $0x40, s25;
	[sflag:s26] =	ssyncset.done @!p3 $0x0  }
0x3c: {  	s31 =	simm.s32 @!p4 $0x5;
	[sflag:s26] =	ssyncadd.s32 @!p3 $0xFFFFC000;
	s26 =	sadd.s32 @!p2 $0x20, s16  }
0x3d: {  	[spmem:s2] =	stream.indirect.scatter.add.f32 @!p3 [tilespmem:s24], [sflag:$0x7], $0x80, s1, s1, $0xb8;
	[tilespmem:$0x1FF00] =	vst v63  }
0x3e: {  	s26 =	sand.u32 @!p2 $0x70, s26;
	s1 =	simm.s32 @!p2 $0x400;
	_ =	swait.ge @!p5 [sflag:s0], $0x4000  }
0x3f: {  	s24 =	sand.u32 @!p2 $0xFFFFF00, s25;
	s26 =	sadd.s32 @!p2 s6, s26;
	[sflag:s0] =	ssyncset.done @!p5 $0x0  }
0x40: {  	s25 =	simm.s32 @!p0 $0x3;
	s24 =	sadd.s32 @!p2 s24, s26;
	[sflag:s0] =	ssyncadd.s32 @!p5 $0xFFFFC000  }
0x41: {  	[tilespmem:s3], [sflag:$0x3] =	stream.strided.gather @!p2 [hbm4b:s24+s28], $0x100, s1, s28, $0x38;
	[tilespmem:$0x1FF00] =	vst v63  }
0x42: {  	s29 =	simm.s32 @!p4 $0x180;
	p2 =	por $0x0, $0x0;
	_ =	swait.ge @!p0 [sflag:s25], $0x100  }
0x43: {  	s26 =	simm.s32 @!p0 $0x200;
	p5 =	sge.u32 @!p2 s17, s12;
	[sflag:s25] =	ssyncset.done @!p0 $0x0  }
0x44: {  	s0 =	simm.s32 @!p4 $0x80;
	p5 =	por p5, p2;
	[sflag:s25] =	ssyncadd.s32 @!p0 $0xFFFFFF00  }
0x45: {  	[tilespmem:s9], [sflag:$0x6] =	stream.indirect.gather @!p0 [hbm4b:s5+s30], $0x80, s26, s30, $0xb8;
	[tilespmem:$0x1FF00] =	vst v63  }
0x46: {  	s28 =	simm.s32 @!p4 $0x4300;
	s3 =	sadd.s32 @!p5 $0x0, s13;
	_ =	swait.ge @!p4 [sflag:s31], $0x4000  }
0x47: {  	s1 =	sadd.s32 @!p5 $0x30, s16;
	s30 =	simm.s32 @!p3 $0x7;
	[sflag:s31] =	ssyncset.done @!p4 $0x0  }
.LBB2_2:
0x48: {  	[sflag:s31] =	ssyncadd.s32 @!p4 $0xFFFFC000;
	s9 =	simm.s32 @!p5 $0x400;
	s31 =	simm.s32 @!p5 $0x0  }
0x49: {  	s24 =	smov.u32 s21;
	s26 =	smov.u32 s22;
	s25 =	smov.u32 s23  }
0x4a: {  	[spmem:s2] =	stream.indirect.scatter.add.f32 @!p4 [tilespmem:s28], [sflag:$0x8], $0x80, s29, s0, $0xb8;
	[tilespmem:$0x1FF00] =	vst v63  }
0x4b: {  	s1 =	sand.u32 @!p5 $0x70, s1;
	s0 =	sadd.s32 @!p5 $0x60, s3;
	_ =	swait.ge @!p3 [sflag:s30], $0x4000  }
0x4c: {  	s1 =	sadd.s32 @!p5 s6, s1;
	s0 =	sand.u32 @!p5 $0xFFFFF00, s0;
	[sflag:s30] =	ssyncset.done @!p3 $0x0  }
0x4d: {  	s0 =	sadd.s32 @!p5 s0, s1;
	s1 =	simm.s32 @!p5 $0x80;
	[sflag:s30] =	ssyncadd.s32 @!p3 $0xFFFFC000  }
0x4e: {  	[tilespmem:s31], [sflag:$0x1] =	stream.strided.gather @!p5 [hbm4b:s0+s1], $0x100, s9, s1, $0x38;
	[tilespmem:$0x1FF00] =	vst v63  }
0x4f: {  	s21 =	sadd.s32 $0x60, s21;
	s0 =	sadd.s32 $0xFFFFFFFE, s22;
	p5 =	seq.s32 s24, $0x0  }
0x50: {  	p3 =	sge.u32 s0, s7;
	p0 =	sgt.u32 @!p5 s0, s7;
	p2 =	sge.u32 @!p5 s0, s11  }
0x51: {  	s30 =	sadd.s32 $0xFFFFFFFF, s22;
	s1 =	simm.s32 @!p3 $0x1;
	p6 =	por p2, p5  }
0x52: {  	s3 =	simm.s32 @!p3 $0x0;
	p2 =	por p0, p5;
	_ =	swait.ge @!p3 [sflag:s1], $0x100  }
0x53: {  	p4 =	sge.u32 s30, s7;
	s28 =	simm.s32 @!p3 $0x300;
	[sflag:s1] =	ssyncset.done @!p3 $0x0  }
0x54: {  	s29 =	simm.s32 @!p3 $0x80;
	[sflag:s1] =	ssyncadd.s32 @!p3 $0xFFFFFF00;
	s1 =	simm.s32 @!p4 $0x2  }
0x55: {  	[tilespmem:s28], [sflag:$0x4] =	stream.indirect.gather @!p3 [hbm4b:s5+s29], $0x80, s3, s29, $0xb8;
	[tilespmem:$0x1FF00] =	vst v63  }
0x56: {  	p0 =	sge.u32 s0, s12;
	s9 =	simm.s32 @!p2 $0x280;
	s3 =	simm.s32 @!p2 $0x6  }
0x57: {  	s0 =	simm.s32 @!p2 $0x8300;
	s31 =	simm.s32 @!p0 $0x100;
	_ =	swait.ge @!p2 [sflag:s3], $0x4000  }
0x58: {  	s10 =	simm.s32 @!p2 $0x80;
	s8 =	sadd.s32 @!p0 $0x10, s23;
	[sflag:s3] =	ssyncset.done @!p2 $0x0  }
0x59: {  	s8 =	sand.u32 @!p0 $0x70, s8;
	[sflag:s3] =	ssyncadd.s32 @!p2 $0xFFFFC000;
	s3 =	simm.s32 @!p6 $0x8  }
0x5a: {  	[spmem:s2] =	stream.indirect.scatter.add.f32 @!p2 [tilespmem:s0], [sflag:$0x9], $0x80, s9, s10, $0xb8;
	[tilespmem:$0x1FF00] =	vst v63  }
0x5b: {  	s8 =	sadd.s32 @!p0 s6, s8;
	s0 =	sadd.s32 @!p0 s24, s13;
	_ =	swait.ge @!p6 [sflag:s3], $0x4000  }
0x5c: {  	s9 =	simm.s32 @!p0 $0x80;
	s0 =	sadd.s32 @!p0 $0x20, s0;
	[sflag:s3] =	ssyncset.done @!p6 $0x0  }
0x5d: {  	s0 =	sand.u32 @!p0 $0xFFFFF00, s0;
	[sflag:s3] =	ssyncadd.s32 @!p6 $0xFFFFC000;
	s3 =	simm.s32 @!p0 $0x400  }
0x5e: {  	p2 =	sge.u32 @!p5 s30, s11;
	s0 =	sadd.s32 @!p0 s0, s8;
	p6 =	sne.s32 s21, $0xA20  }
0x5f: {  	[tilespmem:s31], [sflag:$0x2] =	stream.strided.gather @!p0 [hbm4b:s0+s9], $0x100, s3, s9, $0x38;
	[tilespmem:$0x1FF00] =	vst v63  }
0x60: {  	s0 =	simm.s32 @!p4 $0x100;
	s3 =	simm.s32 @!p4 $0x4300;
	_ =	swait.ge @!p4 [sflag:s1], $0x100  }
0x61: {  	s8 =	simm.s32 @!p4 $0x80;
	s9 =	simm.s32 @!p3 $0x4;
	[sflag:s1] =	ssyncset.done @!p4 $0x0  }
0x62: {  	s22 =	sadd.s32 $0x3, s22;
	[sflag:s1] =	ssyncadd.s32 @!p4 $0xFFFFFF00  }
0x63: {  	[tilespmem:s3], [sflag:$0x5] =	stream.indirect.gather @!p4 [hbm4b:s5+s8], $0x80, s0, s8, $0xb8;
	[tilespmem:$0x1FF00] =	vst v63  }
0x64: {  	s23 =	sadd.s32 $0x30, s23;
	p4 =	sgt.u32 s26, s7;
	_ =	swait.ge @!p3 [sflag:s9], $0x4000  }
0x65: {  	p2 =	por p2, p5;
	p0 =	sge.u32 s30, s12;
	[sflag:s9] =	ssyncset.done @!p3 $0x0  }
0x66: {  	s1 =	simm.s32 @!p0 $0x200;
	s0 =	simm.s32 @!p2 $0x9;
	[sflag:s9] =	ssyncadd.s32 @!p3 $0xFFFFC000  }
0x67: {  	p5 =	sge.u32 s26, s7;
	s3 =	sadd.s32 @!p0 s24, s13;
	s8 =	sadd.s32 @!p0 $0x20, s25  }
0x68: {  	s3 =	sadd.s32 @!p0 $0x40, s3;
	s8 =	sand.u32 @!p0 $0x70, s8;
	s9 =	simm.s32 @!p5 $0x80  }
0x69: {  	s10 =	simm.s32 @!p0 $0x80;
	s30 =	simm.s32 @!p0 $0x400;
	s8 =	sadd.s32 @!p0 s6, s8  }
0x6a: {  	[spmem:s2] =	stream.indirect.scatter.add.f32 @!p3 [tilespmem:s28], [sflag:$0x7], $0x80, s29, s29, $0xb8;
	[tilespmem:$0x1FF00] =	vst v63  }
0x6b: {  	s14 =	simm.s32 @!p5 $0x3;
	s3 =	sand.u32 @!p0 $0xFFFFF00, s3;
	_ =	swait.ge @!p2 [sflag:s0], $0x4000  }
0x6c: {  	s3 =	sadd.s32 @!p0 s3, s8;
	s8 =	simm.s32 @!p5 $0x200;
	[sflag:s0] =	ssyncset.done @!p2 $0x0  }
0x6d: {  	s15 =	simm.s32 @!p5 $0x8300;
	s28 =	simm.s32 @!p4 $0x4300;
	[sflag:s0] =	ssyncadd.s32 @!p2 $0xFFFFC000  }
0x6e: {  	[tilespmem:s1], [sflag:$0x3] =	stream.strided.gather @!p0 [hbm4b:s3+s10], $0x100, s30, s10, $0x38;
	[tilespmem:$0x1FF00] =	vst v63  }
0x6f: {  	s31 =	simm.s32 @!p4 $0x5;
	s29 =	simm.s32 @!p4 $0x180;
	_ =	swait.ge @!p5 [sflag:s14], $0x100  }
.Ltmp0:
0x70: {  	p0 =	seq.s32 s24, $0x9C0;
	[sflag:s14] =	ssyncset.done @!p5 $0x0;
	(pc) =	sbr.rel @p6 .LBB2_2-.Ltmp0, $4  }
0x71: {  	s0 =	simm.s32 @!p4 $0x80;
	p2 =	sge.u32 @!p0 s26, s12;
	[sflag:s14] =	ssyncadd.s32 @!p5 $0xFFFFFF00  }
0x72: {  	[tilespmem:s15], [sflag:$0x6] =	stream.indirect.gather @!p5 [hbm4b:s5+s9], $0x80, s8, s9, $0xb8;
	[tilespmem:$0x1FF00] =	vst v63  }
0x73: {  	s30 =	simm.s32 @!p3 $0x7;
	p5 =	por p2, p0;
	_ =	swait.ge @!p4 [sflag:s31], $0x4000  }
0x74: {  	s3 =	sadd.s32 @!p5 s24, s13;
	s1 =	sadd.s32 @!p5 $0x30, s25;
	[sflag:s31] =	ssyncset.done @!p4 $0x0  }
0x75: {  	[sflag:s31] =	ssyncadd.s32 @!p4 $0xFFFFC000;
	s8 =	simm.s32 @!p5 $0x400;
	s9 =	simm.s32 @!p5 $0x0  }
0x76: {  	[spmem:s2] =	stream.indirect.scatter.add.f32 @!p4 [tilespmem:s28], [sflag:$0x8], $0x80, s29, s0, $0xb8;
	[tilespmem:$0x1FF00] =	vst v63  }
0x77: {  	s1 =	sand.u32 @!p5 $0x70, s1;
	s0 =	sadd.s32 @!p5 $0x60, s3;
	_ =	swait.ge @!p3 [sflag:s30], $0x4000  }
0x78: {  	s1 =	sadd.s32 @!p5 s6, s1;
	s0 =	sand.u32 @!p5 $0xFFFFF00, s0;
	[sflag:s30] =	ssyncset.done @!p3 $0x0  }
0x79: {  	s0 =	sadd.s32 @!p5 s0, s1;
	s1 =	simm.s32 @!p5 $0x80;
	[sflag:s30] =	ssyncadd.s32 @!p3 $0xFFFFC000  }
0x7a: {  	[tilespmem:s9], [sflag:$0x1] =	stream.strided.gather @!p5 [hbm4b:s0+s1], $0x100, s8, s1, $0x38;
	[tilespmem:$0x1FF00] =	vst v63  }
0x7b: {  	s0 =	simm.s32 @!p1 $0x6  }
0x7c: {  	_ =	swait.ge @!p1 [sflag:s0], $0x4000  }
0x7d: {  	s3 =	simm.s32 @!p1 $0x8300;
	[sflag:s0] =	ssyncset.done @!p1 $0x0;
	s28 =	sld [smem:$0x7FD]  }
0x7e: {  	s1 =	simm.s32 @!p1 $0x280;
	[sflag:s0] =	ssyncadd.s32 @!p1 $0xFFFFC000;
	s0 =	simm.s32 @!p1 $0x80  }
0x7f: {  	[spmem:s2] =	stream.indirect.scatter.add.f32 @!p1 [tilespmem:s3], [sflag:$0x9], $0x80, s1, s0, $0xb8;
	[tilespmem:$0x1FF00] =	vst v63  }
0x80: {  	p0 =	seq.s32 s28, $0x1  }
0x81: {  	s0 =	simm.s32 @!p0 $0x8  }
0x82: {  	_ =	swait.ge @!p0 [sflag:s0], $0x4000  }
0x83: {  	[sflag:s0] =	ssyncset.done @!p0 $0x0  }
0x84: {  	[sflag:s0] =	ssyncadd.s32 @!p0 $0xFFFFC000;
	s0 =	simm.s32 @!p1 $0x9  }
0x85: {  	_ =	swait.ge @!p1 [sflag:s0], $0x4000  }
0x86: {  	[sflag:s0] =	ssyncset.done @!p1 $0x0  }
0x87: {  	[sflag:s0] =	ssyncadd.s32 @!p1 $0xFFFFC000  }
0x88: {  	[bflag:$0x0] =	sbarrier.arrive $0xFFFF  }
0x89: {  	s29 =	rddreg [dreg:$0x4]  }
0x8a: {  	s30 =	rddreg [dreg:$0x7];
	s0 =	sor.u32 $0x1C0B, s29  }
0x8b: {  	[hbm:s30], [sflag:s0] =	dma.local [spmem:s18], $0x2780  }
0x8c: {  	_ =	swait.ge [sflag:s20], $0x2780  }
0x8d: {  	s4 =	sadd.s32 $0x1, s4;
	s31 =	rddreg [dreg:$0x8]  }
0x8e: {  	p0 =	sne.s32 s4, s31  }
.Ltmp1:
0x8f: {  	_ = 	snop;
	(pc) =	sbr.rel @p0 .LBB2_1-.Ltmp1, $3  }
0x90: {  	_ =	sdelay $0x1  }
0x91: {  	[sflag:s20] =	ssyncset.done $0x0  }
0x92: {  	[sflag:s20] =	ssyncadd.s32 $0xFFFFD880  }
0x93: {  	_ =	sfence.sel $0x180000  }
0x94: {  	[bflag:$0x0] =	sbarrier.arrive $0xFFFF  }
0x95: {  	_ =	strace $0x9000004D  }
0x96: {  	s0 =	stileid.u32;
	[bflag:$0x2] =	sbarrier.arrive $0xFFFF  }
0x97: {  	p0 =	sne.s32 s0, $0x0;
	s0 =	rddreg [dreg:$0x3]  }
0x98: {  	s0 =	sadd.s32 @!p0 $0x100000, s0  }
0x99: {  	[sflag:s0] =	ssyncadd.tile.s32 @!p0 $0x1;
	_ =	shalt  }
.Lfunc_end2:
_tile_overlayer_lowered:
.L_overlay_start_2:
0x9a: {  	(tag) =	ssettag $0x2  }
0x9b: {  	s0 =	rddreg [dreg:$0x0];
	s2 =	stileid.u32  }
0x9c: {  	s1 =	rddreg [dreg:$0x1];
	p0 =	sne.s32 s2, $0x0  }
0x9d: {  	s3 =	rddreg [dreg:$0x2];
	[bflag:$0x3] =	sbarrier.arrive $0xFFFF;
	s2 =	simm.s32 @!p0 $0x1C0B  }
0x9e: {  	[timem:s3], [sflag:s2] =	dma.local @!p0 [hbm:s0], s1  }
0x9f: {  	s0 =	simm.s32 @!p0 $0xB  }
0xa0: {  	_ =	swait.ge @!p0 [sflag:s0], s1  }
0xa1: {  	s1 =	ssub.s32 @!p0 $0x0, s1;
	[sflag:s0] =	ssyncset.done @!p0 $0x0  }
0xa2: {  	[sflag:s0] =	ssyncadd.s32 @!p0 s1  }
0xa3: {  	[bflag:$0x3] =	sbarrier.arrive $0xFFFF  }
0xa4: {  	_ =	shalt  }

// kernel: kernel.8.cloned.1.call-start
scs
__scs_entry_jumppad:
0x0: {  	(pc) =	sbr.rel $0x88, $3  }
0x1: {  	(tag) =	ssettag $0x0;
	lr =	simm.s32 $0x1  }
0x2: {  	[smem:$0x3F9B] =	sst lr;
	_ =	strace $0xD0000000  }
0x3: {  	_ = 	snop  }
0x4: {  	_ = 	snop  }
0x5: {  	_ = 	snop  }
0x6: {  	_ = 	snop  }
0x7: {  	_ = 	snop  }
__scs_overlays_trampoline_lowered:
0x8: {  	[smem:$0x3FAA] =	sst s0  }
0x9: {  	[smem:$0x3FAB] =	sst s1  }
0xa: {  	[smem:$0x3FAC] =	sst s2  }
0xb: {  	[smem:$0x3FAD] =	sst s3  }
0xc: {  	[smem:$0x3FAE] =	sst s4  }
0xd: {  	[smem:$0x3FAF] =	sst s5  }
0xe: {  	[smem:$0x3FB0] =	sst s6  }
0xf: {  	[smem:$0x3FB1] =	sst s7  }
0x10: {  	[smem:$0x3FB2] =	sst s8  }
0x11: {  	[smem:$0x3FB3] =	sst s9;
	s0 =	simm.s32 @!p0 $0x0  }
0x12: {  	s1 =	sld [smem:$0x3F99];
	s0 =	simm.s32 @p0 $0x1  }
0x13: {  	[smem:$0x3FB4] =	sst s0;
	s0 =	simm.s32 @!p1 $0x0  }
0x14: {  	s2 =	sld [smem:$0x3F98];
	s0 =	simm.s32 @p1 $0x1  }
0x15: {  	[smem:$0x3FB5] =	sst s0;
	s0 =	simm.s32 @!p2 $0x0  }
0x16: {  	s3 =	sld [smem:$0x3FDB];
	s0 =	simm.s32 @p2 $0x1  }
0x17: {  	s4 =	simm.s32 $0x1BF5;
	[smem:$0x3FB7] =	sst s0  }
0x18: {  	s0 =	sld [smem:$0x3F9A];
	_ =	swait.ge [sflag:s4], $0x0  }
0x19: {  	s7 =	sld [smem:$0x3F9B]  }
0x1a: {  	s8 =	sadd.s32 $0xFFFFE003, lr  }
0x1b: {  	s9 =	sadd.s32 $0xFFFFFEF7, lr;
	s5 =	simm.s32 $0xFFFFFFFF;
	p2 =	slt.u32 s8, $0xFFFFF086  }
0x1c: {  	p1 =	slt.u32 s9, $0xF7A;
	s5 =	simm.s32 @!p2 $0x0  }
0x1d: {  	s5 =	simm.s32 @p1 $0x1;
	p0 =	seq.s32 s7, s2  }
0x1e: {  	s7 =	smul.u32 @!p0 $0xF7A, s2;
	p2 =	seq.s32 @!p0 s5, $0x0  }
0x1f: {  	s9 =	smul.u32 $0xF7A, s1;
	s8 =	simm.s32 @!p0 $0x1BF5;
	p2 =	por !p2, p0  }
0x20: {  	[sflag:s8] =	ssyncset.s32 @!p0 $0xFFFFF086;
	s6 =	sadd.s32 @!p0 s3, s7;
	s7 =	simm.s32 @!p0 $0x108  }
0x21: {  	s3 =	sadd.s32 s3, s9;
	s6 =	sadd.s32 @!p0 $0x88, s6;
	s7 =	simm.s32 @p2 $0x1082  }
0x22: {  	[simem:s7], [sflag:s8] =	dma.local @!p0 [hbm:s6], $0xF7A  }
0x23: {  	s9 =	sor.u32 $0xD0000000, s2;
	s6 =	simm.s32 $0x108;
	_ =	swait.ge @!p0 [sflag:s8], $0x0  }
0x24: {  	s3 =	sadd.s32 $0x88, s3;
	s6 =	simm.s32 @!p1 $0x1082;
	[sflag:s4] =	ssyncset.s32 $0xFFFFF086  }
0x25: {  	[simem:s6], [sflag:s4] =	dma.local [hbm:s3], $0xF7A  }
0x26: {  	[smem:$0x3F9B] =	sst s1;
	(tag) =	ssettag s2;
	_ =	strace s9  }
0x27: {  	s1 =	sld [smem:$0x3FAB]  }
0x28: {  	s2 =	sld [smem:$0x3FAC]  }
0x29: {  	s4 =	sld [smem:$0x3FAE]  }
0x2a: {  	p0 =	seq.s32 s5, $0x0;
	s5 =	sld [smem:$0x3FAF]  }
0x2b: {  	s6 =	sld [smem:$0x3FB0]  }
0x2c: {  	s7 =	sld [smem:$0x3FB1]  }
0x2d: {  	s3 =	simm.s32 $0x108;
	s8 =	sld [smem:$0x3FB2]  }
0x2e: {  	s3 =	simm.s32 @!p0 $0x1082;
	s9 =	sld [smem:$0x3FB3]  }
0x2f: {  	lr =	sadd.s32 s0, s3;
	s0 =	sld [smem:$0x3FAA]  }
0x30: {  	s3 =	sld [smem:$0x3FAD]  }
0x31: {  	[smem:$0x3FB6] =	sst s10  }
0x32: {  	s10 =	sld [smem:$0x3FB4];
	_ =	sdelay $0x3  }
0x33: {  	p0 =	seq.s32 s10, $0x1;
	s10 =	sld [smem:$0x3FB6];
	_ =	sdelay $0x3  }
0x34: {  	[smem:$0x3FB6] =	sst s10  }
0x35: {  	s10 =	sld [smem:$0x3FB5];
	_ =	sdelay $0x3  }
0x36: {  	p1 =	seq.s32 s10, $0x1;
	s10 =	sld [smem:$0x3FB6];
	_ =	sdelay $0x3  }
0x37: {  	[smem:$0x3FB6] =	sst s10  }
0x38: {  	s10 =	sld [smem:$0x3FB7]  }
0x39: {  	_ = 	snop;
	(pc) =	sbr.ind lr, $3  }
0x3a: {  	_ = 	snop  }
0x3b: {  	_ = 	snop  }
0x3c: {  	p2 =	seq.s32 s10, $0x1;
	s10 =	sld [smem:$0x3FB6]  }
0x3d: {  	_ =	shalt  }
0x3e: {  	_ =	shalt  }
0x3f: {  	_ =	shalt  }
0x40: {  	_ =	shalt  }
0x41: {  	_ =	shalt  }
0x42: {  	_ =	shalt  }
0x43: {  	_ =	shalt  }
0x44: {  	_ =	shalt  }
0x45: {  	_ =	shalt  }
0x46: {  	_ =	shalt  }
0x47: {  	_ =	shalt  }
0x48: {  	_ =	shalt  }
0x49: {  	_ =	shalt  }
0x4a: {  	_ =	shalt  }
0x4b: {  	_ =	shalt  }
0x4c: {  	_ =	shalt  }
0x4d: {  	_ =	shalt  }
0x4e: {  	_ =	shalt  }
0x4f: {  	_ =	shalt  }
0x50: {  	_ =	shalt  }
0x51: {  	_ =	shalt  }
0x52: {  	_ =	shalt  }
0x53: {  	_ =	shalt  }
0x54: {  	_ =	shalt  }
0x55: {  	_ =	shalt  }
0x56: {  	_ =	shalt  }
0x57: {  	_ =	shalt  }
0x58: {  	_ =	shalt  }
0x59: {  	_ =	shalt  }
0x5a: {  	_ =	shalt  }
0x5b: {  	_ =	shalt  }
0x5c: {  	_ =	shalt  }
0x5d: {  	_ =	shalt  }
0x5e: {  	_ =	shalt  }
0x5f: {  	_ =	shalt  }
0x60: {  	_ =	shalt  }
0x61: {  	_ =	shalt  }
0x62: {  	_ =	shalt  }
0x63: {  	_ =	shalt  }
0x64: {  	_ =	shalt  }
0x65: {  	_ =	shalt  }
0x66: {  	_ =	shalt  }
0x67: {  	_ =	shalt  }
0x68: {  	_ =	shalt  }
0x69: {  	_ =	shalt  }
0x6a: {  	_ =	shalt  }
0x6b: {  	_ =	shalt  }
0x6c: {  	_ =	shalt  }
0x6d: {  	_ =	shalt  }
0x6e: {  	_ =	shalt  }
0x6f: {  	_ =	shalt  }
0x70: {  	_ =	shalt  }
0x71: {  	_ =	shalt  }
0x72: {  	_ =	shalt  }
0x73: {  	_ =	shalt  }
0x74: {  	_ =	shalt  }
0x75: {  	_ =	shalt  }
0x76: {  	_ =	shalt  }
0x77: {  	_ =	shalt  }
0x78: {  	_ =	shalt  }
0x79: {  	_ =	shalt  }
0x7a: {  	_ =	shalt  }
0x7b: {  	_ =	shalt  }
0x7c: {  	_ =	shalt  }
0x7d: {  	_ =	shalt  }
0x7e: {  	_ =	shalt  }
0x7f: {  	_ =	shalt  }
0x80: {  	_ =	shalt  }
0x81: {  	_ =	shalt  }
0x82: {  	_ =	shalt  }
0x83: {  	_ =	shalt  }
0x84: {  	_ =	shalt  }
0x85: {  	_ =	shalt  }
0x86: {  	_ =	shalt  }
0x87: {  	_ =	shalt  }
.Lfunc_end0:
.L_simem_size_0:
called_computation_lowered:
.L_overlay_start_0:
0x88: {  	s2 =	sld [smem:$0x3FD9]  }
0x89: {  	s3 =	sld [smem:$0x3FFE];
	_ =	sdelay $0x1  }
0x8a: {  	s1 =	srdreg.scid  }
0x8b: {  	s0 =	sand.u32 $0x1, s1  }
0x8c: {  	s17 =	sshll.u32 s0, $0xA;
	s2 =	sadd.s32 s3, s2  }
0x8d: {  	s2 =	sadd.s32 s2, s17  }
0x8e: {  	[smem:$0x3FC2] =	sst s2  }
0x8f: {  	_ = 	snop  }
0x90: {  	s2 =	sld [smem:$0x3FD0];
	(tm) =	ssettm $0x1  }
0x91: {  	s18 =	sld [smem:$0x3FFB];
	_ =	sdelay $0x3  }
0x92: {  	_ =	strace s18  }
0x93: {  	s3 =	sld [smem:$0x3FFC];
	_ =	sdelay $0x3  }
0x94: {  	_ =	strace s3  }
0x95: {  	s3 =	sld [smem:$0x3FFD];
	_ =	sdelay $0x3  }
0x96: {  	_ =	strace s3  }
0x97: {  	_ =	strace $0x8FFFFFFF  }
0x98: {  	s19 =	sld [smem:$0x3FDB];
	_ =	sdelay $0x1  }
0x99: {  	s4 =	simm.s32 $_scs_section_size  }
0x9a: {  	s5 =	simm.s32 $_size__tile_overlayer_lowered;
	s6 =	simm.s32 $_tile_overlayer_lowered  }
0x9b: {  	s22 =	simm.s32 $0x1BFF;
	s21 =	sshll.u32 s6, $0x1;
	s3 =	sadd.s32 s4, s19  }
0x9c: {  	s7 =	simm.s32 $0x0;
	s20 =	sshll.u32 s5, $0x1;
	s5 =	sadd.s32 s21, s3  }
0x9d: {  	[timem:s7], [sflag:s22] =	dma.local [hbm:s5], s20  }
0x9e: {  	_ =	swait.ge [sflag:s22], s20  }
0x9f: {  	s4 =	ssub.s32 $0x0, s20;
	[sflag:s22] =	ssyncset.done $0x0  }
0xa0: {  	[sflag:s22] =	ssyncadd.s32 s4;
	_ =	sdelay $0x1  }
0xa1: {  	s23 =	simm.s32 $0x1B8B  }
0xa2: {  	_ =	swait.ge [sflag:s23], $0x1  }
0xa3: {  	[sflag:s23] =	ssyncset.done $0x0  }
0xa4: {  	s25 =	simm.s32 $0x1B8E;
	s24 =	sld [smem:$0x3FFE];
	[sflag:s23] =	ssyncadd.s32 $0xFFFFFFFF  }
0xa5: {  	s26 =	simm.s32 $execute0_lowered;
	[smem:$0x3FD2] =	sst s25  }
0xa6: {  	s5 =	sshll.u32 s26, $0x1;
	_ =	strace $0x80000046;
	[dreg:$0x1] =	wrdreg $0xFFFFFFFF  }
0xa7: {  	s28 =	simm.s32 $_size_execute0_lowered;
	s3 =	sadd.s32 s3, s5;
	[dreg:$0x0] =	wrdreg $0x0  }
0xa8: {  	s5 =	sshll.u32 s28, $0x1;
	[dreg:$0x2] =	wrdreg s3  }
0xa9: {  	[dreg:$0x3] =	wrdreg s5  }
0xaa: {  	[dreg:$0x4] =	wrdreg $0xC0  }
0xab: {  	_ =	task [dreg:s7], $0x5FFFF  }
0xac: {  	[dreg:$0x1] =	wrdreg $0xFFFFFFFF  }
0xad: {  	[dreg:$0x0] =	wrdreg $0x60  }
0xae: {  	[dreg:$0x2] =	wrdreg s2  }
0xaf: {  	[dreg:$0x3] =	wrdreg s24  }
0xb0: {  	[dreg:$0x4] =	wrdreg $0x2B000  }
0xb1: {  	[dreg:$0x5] =	wrdreg $0x9  }
0xb2: {  	_ =	task.clear_ibuf [dreg:s7], $0x6FFFF;
	_ =	strace $0x90000046  }
0xb3: {  	s29 =	simm.s32 $0x9;
	_ =	strace $0x80000048  }
0xb4: {  	_ =	swait.ge [sflag:s29], $0x1  }
0xb5: {  	[sflag:s29] =	ssyncadd.s32 $0xFFFFFFFF  }
0xb6: {  	_ =	strace $0x90000048  }
0xb7: {  	_ =	sfence  }
0xb8: {  	s30 =	sld [smem:$0x0];
	_ =	sdelay $0x2  }
0xb9: {  	s31 =	sshll.u32 s1, $0xD;
	s1 =	sshrl.u32 s1, $0x2  }
0xba: {  	s3 =	sand.u32 $0x4000, s31;
	s1 =	sadd.s32 s1, s30  }
0xbb: {  	s0 =	sor.u32 s3, s0;
	s1 =	sshll.u32 s1, $0x11  }
0xbc: {  	s0 =	sor.u32 s1, s0  }
0xbd: {  	s0 =	sadd.s32 $0x8F2B, s0  }
0xbe: {  	[sflag:s0] =	ssyncadd.remote.s32 $0x1  }
0xbf: {  	_ =	sfence.sel $0xFFFF  }
0xc0: {  	[dreg:$0x0] =	wrdreg $0xFFFFFFFF;
	(pc) =	sbr.abs _section_cstart, $3  }
0xc1: {  	[dreg:$0x1] =	wrdreg $0xFFFFFFFF  }
0xc2: {  	_ =	task.clear_ibuf [dreg:s7], $0x2FFFF;
	_ =	strace $0x9FFFFFFF  }
0xc3: {  	(tm) =	ssettm $0x7FFFFFFF  }
tec
execute0_lowered:
.L_overlay_start_1:
0x0: {  	(tag) =	ssettag $0x1  }
0x1: {  	s8 =	rddreg [dreg:$0x0]  }
0x2: {  	s6 =	rddreg [dreg:$0x1]  }
0x3: {  	s2 =	rddreg [dreg:$0x2]  }
0x4: {  	s0 =	rddreg [dreg:$0x3];
	s1 =	stileid.u32  }
0x5: {  	s4 =	srdreg.scid;
	s7 =	smul.u32 $0x278, s1  }
0x6: {  	s3 =	simm.s32 $0x0;
	s10 =	sand.u32 $0x1, s4;
	s30 =	smul.u32 $0xA0, s1  }
0x7: {  	[smem:$0x7FF] =	sst s3;
	s11 =	sshll.u32 s1, $0x1;
	s9 =	smul.u32 $0x2780, s10  }
0x8: {  	s4 =	sadd.s32 $0x3000, s6;
	s11 =	sor.u32 s10, s11;
	s31 =	smul.u32 $0x50, s10  }
0x9: {  	s5 =	sadd.s32 $0x2E00, s6;
	s12 =	ssub.s32 $0x2, s10;
	s13 =	smul.u32 $0x50, s11  }
0xa: {  	_ =	strace $0x80000047;
	s14 =	sshrl.u32 s12, $0x1;
	s11 =	smul.u32 $0x500, s11  }
0xb: {  	s9 =	sadd.s32 s7, s9;
	s12 =	ssub.s32 s12, s14;
	s7 =	sadd.s32 s7, s2  }
0xc: {  	s14 =	simm.s32 $0x2800;
	s9 =	sshrl.u32 s9, $0x3;
	s29 =	smin.u32 s13, $0x974  }
0xd: {  	s8 =	sadd.s32 s8, s11;
	s9 =	sadd.s32 s9, s6;
	s6 =	sadd.s32 $0x50, s29  }
0xe: {  	s15 =	sor.u32 $0x1, s13;
	s16 =	sor.u32 $0x2, s13;
	p0 =	sge.u32 s13, s6  }
0xf: {  	s17 =	sor.u32 $0x3, s13;
	s10 =	smax.u32 s12, $0x1;
	s12 =	simm.s32 @!p0 $0x0  }
0x10: {  	s18 =	sadd.s32 $0x4C, s13;
	s12 =	simm.s32 @p0 $0x1;
	p0 =	sge.u32 s15, s6  }
0x11: {  	s19 =	sadd.s32 $0x4D, s13;
	s20 =	sadd.s32 $0x4E, s13;
	s15 =	simm.s32 @!p0 $0x0  }
0x12: {  	s21 =	sadd.s32 $0x4F, s13;
	s15 =	simm.s32 @p0 $0x1;
	p0 =	sge.u32 s16, s6  }
0x13: {  	s11 =	sadd.s32 s31, s30;
	[smem:$0x7FA] =	sst s15;
	s15 =	simm.s32 @!p0 $0x0  }
0x14: {  	s9 =	sadd.s32 $0x3200, s9;
	s15 =	simm.s32 @p0 $0x1;
	p0 =	sge.u32 s17, s6  }
0x15: {  	s13 =	simm.s32 $0x5;
	[smem:$0x7FB] =	sst s15;
	s15 =	simm.s32 @!p0 $0x0  }
0x16: {  	p5 =	sge.u32 s19, s6;
	s15 =	simm.s32 @p0 $0x1;
	p0 =	sge.u32 s18, s6  }
0x17: {  	p6 =	sge.u32 s20, s6;
	[smem:$0x7FC] =	sst s15;
	s15 =	simm.s32 @!p0 $0x0  }
0x18: {  	p1 =	sge.u32 s21, s6;
	[smem:$0x7F9] =	sst s12;
	s15 =	simm.s32 @p0 $0x1  }
0x19: {  	s12 =	simm.s32 $0x2880;
	[smem:$0x7FD] =	sst s15;
	s15 =	simm.s32 $0x0  }
.LBB2_1:
0x1a: {  	[tilespmem:s12], [sflag:$0x5] =	stream.linear.gather [hbm4b:s5+s3], $0x280, $0x38;
	[tilespmem:$0x2D78] =	vst v63  }
0x1b: {  	_ =	swait.ge [sflag:s13], $0x280  }
0x1c: {  	[sflag:s13] =	ssyncset.done $0x0  }
0x1d: {  	[sflag:s13] =	ssyncadd.s32 $0xFFFFFD80  }
0x1e: {  	[spmem:s7] =	stream.linear.scatter [tilespmem:s12], [sflag:$0x5], $0x278, $0x38;
	[tilespmem:$0x2D78] =	vst v63  }
0x1f: {  	_ =	swait.ge [sflag:s13], $0x278  }
0x20: {  	[sflag:s13] =	ssyncset.done $0x0  }
0x21: {  	[sflag:s13] =	ssyncadd.s32 $0xFFFFFD88  }
0x22: {  	[tilespmem:s14], [sflag:$0x5] =	stream.linear.gather [hbm4b:s4+s3], $0x80, $0x38;
	[tilespmem:$0x2D78] =	vst v63  }
0x23: {  	_ =	swait.ge [sflag:s13], $0x80  }
0x24: {  	[sflag:s13] =	ssyncset.done $0x0  }
0x25: {  	[sflag:s13] =	ssyncadd.s32 $0xFFFFFF80  }
0x26: {  	[bflag:$0x0] =	sbarrier.arrive $0xFFFF  }
0x27: {  	[tilespmem:s3], [sflag:$0x5] =	stream.linear.gather [hbm4b:s8+s3], $0x2800, $0x38;
	[tilespmem:$0x2D78] =	vst v63  }
0x28: {  	_ =	swait.ge [sflag:s13], $0x2800  }
0x29: {  	s16 =	sld [smem:$0x7F9];
	_ =	sdelay $0x1  }
0x2a: {  	[sflag:s13] =	ssyncset.done $0x0  }
0x2b: {  	s26 =	sld [smem:$0x7FA];
	[sflag:s13] =	ssyncadd.s32 $0xFFFFD800;
	p0 =	seq.s32 s16, $0x1  }
0x2c: {  	s16 =	simm.s32 @!p0 $0x80;
	s17 =	simm.s32 @!p0 $0x0;
	s18 =	simm.s32 @!p0 $0x2800  }
0x2d: {  	[spmem:s2] =	stream.indirect.scatter.add.f32 @!p0 [tilespmem:s18], [sflag:$0x1], $0x1, s17, s16, $0xb8;
	[tilespmem:$0x2D78] =	vst v63  }
0x2e: {  	s28 =	sld [smem:$0x7FB];
	p0 =	seq.s32 s26, $0x1  }
0x2f: {  	s16 =	simm.s32 @!p0 $0x80;
	s17 =	simm.s32 @!p0 $0x2800  }
0x30: {  	[spmem:s2] =	stream.indirect.scatter.add.f32 @!p0 [tilespmem:s17], [sflag:$0x2], $0x1, s16, s16, $0xb8;
	[tilespmem:$0x2D78] =	vst v63  }
0x31: {  	s30 =	sadd.s32 $0x0, s11;
	s29 =	sld [smem:$0x7FC];
	p0 =	seq.s32 s28, $0x1  }
0x32: {  	s16 =	simm.s32 @!p0 $0x80;
	s17 =	simm.s32 @!p0 $0x100;
	s18 =	simm.s32 @!p0 $0x2800  }
0x33: {  	[spmem:s2] =	stream.indirect.scatter.add.f32 @!p0 [tilespmem:s18], [sflag:$0x3], $0x1, s17, s16, $0xb8;
	[tilespmem:$0x2D78] =	vst v63  }
0x34: {  	s19 =	sadd.s32 $0x4, s30;
	p0 =	seq.s32 s29, $0x1  }
0x35: {  	s16 =	simm.s32 @!p0 $0x80;
	s17 =	simm.s32 @!p0 $0x180;
	s18 =	simm.s32 @!p0 $0x2800  }
0x36: {  	[spmem:s2] =	stream.indirect.scatter.add.f32 @!p0 [tilespmem:s18], [sflag:$0x4], $0x1, s17, s16, $0xb8;
	[tilespmem:$0x2D78] =	vst v63  }
0x37: {  	s20 =	sadd.s32 $0x1, s30;
	s22 =	sadd.s32 $0x5, s30;
	p0 =	sge.u32 s30, s6  }
0x38: {  	s23 =	sadd.s32 $0x2, s30;
	s24 =	sadd.s32 $0x6, s30;
	s21 =	simm.s32 @!p0 $0x1  }
0x39: {  	s31 =	sadd.s32 $0x3, s30;
	p2 =	sge.u32 s19, s6;
	_ =	swait.ge @!p0 [sflag:s21], $0x80  }
0x3a: {  	p3 =	sge.u32 s20, s6;
	s19 =	simm.s32 @!p2 $0x80;
	[sflag:s21] =	ssyncset.done @!p0 $0x0  }
0x3b: {  	s20 =	simm.s32 @!p2 $0x2800;
	s17 =	simm.s32 $0x200;
	[sflag:s21] =	ssyncadd.s32 @!p0 $0xFFFFFF80  }
0x3c: {  	[spmem:s2] =	stream.indirect.scatter.add.f32 @!p2 [tilespmem:s20], [sflag:$0x1], $0x1, s17, s19, $0xb8;
	[tilespmem:$0x2D78] =	vst v63  }
0x3d: {  	p4 =	sge.u32 s23, s6;
	s16 =	simm.s32 $0x4;
	s19 =	simm.s32 @!p3 $0x2  }
0x3e: {  	s18 =	sadd.s32 $0x7, s30;
	p0 =	sge.u32 s22, s6;
	_ =	swait.ge @!p3 [sflag:s19], $0x80  }
0x3f: {  	s22 =	simm.s32 @!p4 $0x3;
	s20 =	simm.s32 @!p0 $0x280;
	[sflag:s19] =	ssyncset.done @!p3 $0x0  }
0x40: {  	s21 =	simm.s32 @!p0 $0x2800;
	[sflag:s19] =	ssyncadd.s32 @!p3 $0xFFFFFF80;
	s19 =	simm.s32 @!p0 $0x80  }
0x41: {  	[spmem:s2] =	stream.indirect.scatter.add.f32 @!p0 [tilespmem:s21], [sflag:$0x2], $0x1, s20, s19, $0xb8;
	[tilespmem:$0x2D78] =	vst v63  }
0x42: {  	p2 =	sge.u32 s31, s6;
	p0 =	sge.u32 s24, s6;
	_ =	swait.ge @!p4 [sflag:s22], $0x80  }
0x43: {  	s19 =	simm.s32 @!p2 $0x4;
	s17 =	simm.s32 @!p0 $0x300;
	[sflag:s22] =	ssyncset.done @!p4 $0x0  }
0x44: {  	s20 =	simm.s32 @!p0 $0x2800;
	s21 =	simm.s32 @!p0 $0x80;
	[sflag:s22] =	ssyncadd.s32 @!p4 $0xFFFFFF80  }
0x45: {  	[spmem:s2] =	stream.indirect.scatter.add.f32 @!p0 [tilespmem:s20], [sflag:$0x3], $0x1, s17, s21, $0xb8;
	[tilespmem:$0x2D78] =	vst v63  }
0x46: {  	p3 =	sge.u32 s18, s6;
	s17 =	simm.s32 $0x400;
	_ =	swait.ge @!p2 [sflag:s19], $0x80  }
0x47: {  	s20 =	simm.s32 @!p3 $0x380;
	s21 =	simm.s32 @!p3 $0x2800;
	[sflag:s19] =	ssyncset.done @!p2 $0x0  }
.LBB2_2:
0x48: {  	[sflag:s19] =	ssyncadd.s32 @!p2 $0xFFFFFF80;
	s19 =	simm.s32 @!p3 $0x80  }
0x49: {  	s22 =	smov.u32 s16;
	s16 =	sadd.s32 $0x4, s16;
	s18 =	smov.u32 s17  }
0x4a: {  	[spmem:s2] =	stream.indirect.scatter.add.f32 @!p3 [tilespmem:s21], [sflag:$0x4], $0x1, s20, s19, $0xb8;
	[tilespmem:$0x2D78] =	vst v63  }
0x4b: {  	p0 =	sne.s32 s16, $0x4C  }
0x4c: {  	s19 =	sadd.s32 s22, s11  }
0x4d: {  	p3 =	sge.u32 s19, s6;
	s20 =	sadd.s32 $0x4, s19;
	s21 =	sadd.s32 $0x1, s19  }
0x4e: {  	s23 =	sadd.s32 $0x5, s19;
	s24 =	sadd.s32 $0x2, s19;
	s22 =	simm.s32 @!p3 $0x1  }
0x4f: {  	s25 =	sadd.s32 $0x6, s19;
	s26 =	sadd.s32 $0x3, s19;
	_ =	swait.ge @!p3 [sflag:s22], $0x80  }
0x50: {  	p4 =	sge.u32 s20, s6;
	p2 =	sge.u32 s21, s6;
	[sflag:s22] =	ssyncset.done @!p3 $0x0  }
0x51: {  	s20 =	simm.s32 @!p4 $0x80;
	s21 =	simm.s32 @!p4 $0x2800;
	[sflag:s22] =	ssyncadd.s32 @!p3 $0xFFFFFF80  }
0x52: {  	[spmem:s2] =	stream.indirect.scatter.add.f32 @!p4 [tilespmem:s21], [sflag:$0x1], $0x1, s17, s20, $0xb8;
	[tilespmem:$0x2D78] =	vst v63  }
0x53: {  	s20 =	simm.s32 @!p2 $0x2;
	s21 =	sadd.s32 $0x7, s19  }
0x54: {  	p3 =	sge.u32 s24, s6;
	p4 =	sge.u32 s23, s6;
	_ =	swait.ge @!p2 [sflag:s20], $0x80  }
0x55: {  	s19 =	sadd.s32 @!p4 $0x80, s17;
	s22 =	simm.s32 @!p4 $0x2800;
	[sflag:s20] =	ssyncset.done @!p2 $0x0  }
0x56: {  	s23 =	simm.s32 @!p3 $0x3;
	[sflag:s20] =	ssyncadd.s32 @!p2 $0xFFFFFF80;
	s20 =	simm.s32 @!p4 $0x80  }
0x57: {  	[spmem:s2] =	stream.indirect.scatter.add.f32 @!p4 [tilespmem:s22], [sflag:$0x2], $0x1, s19, s20, $0xb8;
	[tilespmem:$0x2D78] =	vst v63  }
0x58: {  	p4 =	sge.u32 s25, s6  }
0x59: {  	p2 =	sge.u32 s26, s6;
	_ =	swait.ge @!p3 [sflag:s23], $0x80;
	s20 =	sadd.s32 @!p4 $0x100, s17  }
.Ltmp0:
0x5a: {  	s22 =	simm.s32 @!p4 $0x2800;
	[sflag:s23] =	ssyncset.done @!p3 $0x0;
	(pc) =	sbr.rel @p0 .LBB2_2-.Ltmp0, $4  }
0x5b: {  	s19 =	simm.s32 @!p2 $0x4;
	[sflag:s23] =	ssyncadd.s32 @!p3 $0xFFFFFF80;
	s23 =	simm.s32 @!p4 $0x80  }
0x5c: {  	[spmem:s2] =	stream.indirect.scatter.add.f32 @!p4 [tilespmem:s22], [sflag:$0x3], $0x1, s20, s23, $0xb8;
	[tilespmem:$0x2D78] =	vst v63  }
0x5d: {  	s17 =	sadd.s32 $0x200, s17;
	p3 =	sge.u32 s21, s6;
	_ =	swait.ge @!p2 [sflag:s19], $0x80  }
0x5e: {  	s20 =	sadd.s32 @!p3 $0x180, s18;
	s21 =	simm.s32 @!p3 $0x2800;
	[sflag:s19] =	ssyncset.done @!p2 $0x0  }
0x5f: {  	s31 =	sld [smem:$0x7FD]  }
0x60: {  	[sflag:s19] =	ssyncadd.s32 @!p2 $0xFFFFFF80;
	s16 =	simm.s32 @!p3 $0x80  }
0x61: {  	[spmem:s2] =	stream.indirect.scatter.add.f32 @!p3 [tilespmem:s21], [sflag:$0x4], $0x1, s20, s16, $0xb8;
	[tilespmem:$0x2D78] =	vst v63  }
0x62: {  	p0 =	seq.s32 s31, $0x1  }
0x63: {  	s16 =	simm.s32 @!p0 $0x1  }
0x64: {  	_ =	swait.ge @!p0 [sflag:s16], $0x80  }
0x65: {  	[sflag:s16] =	ssyncset.done @!p0 $0x0  }
0x66: {  	[sflag:s16] =	ssyncadd.s32 @!p0 $0xFFFFFF80;
	s16 =	simm.s32 @!p5 $0x2  }
0x67: {  	_ =	swait.ge @!p5 [sflag:s16], $0x80  }
0x68: {  	[sflag:s16] =	ssyncset.done @!p5 $0x0  }
0x69: {  	[sflag:s16] =	ssyncadd.s32 @!p5 $0xFFFFFF80;
	s16 =	simm.s32 @!p6 $0x3  }
0x6a: {  	_ =	swait.ge @!p6 [sflag:s16], $0x80  }
0x6b: {  	[sflag:s16] =	ssyncset.done @!p6 $0x0  }
0x6c: {  	[sflag:s16] =	ssyncadd.s32 @!p6 $0xFFFFFF80;
	s16 =	simm.s32 @!p1 $0x4  }
0x6d: {  	_ =	swait.ge @!p1 [sflag:s16], $0x80  }
0x6e: {  	[sflag:s16] =	ssyncset.done @!p1 $0x0  }
0x6f: {  	[sflag:s16] =	ssyncadd.s32 @!p1 $0xFFFFFF80  }
0x70: {  	[bflag:$0x0] =	sbarrier.arrive $0xFFFF  }
0x71: {  	[tilespmem:s12], [sflag:$0x5] =	stream.linear.gather [spmem:s7], $0x278, $0x38;
	[tilespmem:$0x2D78] =	vst v63  }
0x72: {  	s15 =	sadd.s32 $0x1, s15;
	_ =	swait.ge [sflag:s13], $0x278  }
0x73: {  	p0 =	sne.s32 s15, s10;
	[sflag:s13] =	ssyncset.done $0x0  }
.Ltmp1:
0x74: {  	[sflag:s13] =	ssyncadd.s32 $0xFFFFFD88;
	(pc) =	sbr.rel @p0 .LBB2_1-.Ltmp1, $4  }
0x75: {  	[hbm4b:s9+s3] =	stream.linear.scatter [tilespmem:s12], [sflag:$0x5], $0x278, $0x38;
	[tilespmem:$0x2D78] =	vst v63  }
0x76: {  	_ =	swait.ge [sflag:s13], $0x278  }
0x77: {  	[sflag:s13] =	ssyncset.done $0x0  }
0x78: {  	[sflag:s13] =	ssyncadd.s32 $0xFFFFFD88  }
0x79: {  	_ =	sfence.sel $0x180000  }
0x7a: {  	[bflag:$0x0] =	sbarrier.arrive $0xFFFF  }
0x7b: {  	p0 =	sne.s32 s1, $0x0;
	_ =	strace $0x90000047  }
0x7c: {  	s0 =	sadd.s32 @!p0 $0x100000, s0;
	[bflag:$0x2] =	sbarrier.arrive $0xFFFF  }
0x7d: {  	[sflag:s0] =	ssyncadd.tile.s32 @!p0 $0x1;
	_ =	shalt  }
.Lfunc_end2:
_tile_overlayer_lowered:
.L_overlay_start_2:
0x7e: {  	(tag) =	ssettag $0x2  }
0x7f: {  	s0 =	rddreg [dreg:$0x0];
	s2 =	stileid.u32  }
0x80: {  	s1 =	rddreg [dreg:$0x1];
	p0 =	sne.s32 s2, $0x0  }
0x81: {  	s3 =	rddreg [dreg:$0x2];
	[bflag:$0x3] =	sbarrier.arrive $0xFFFF;
	s2 =	simm.s32 @!p0 $0x1C05  }
0x82: {  	[timem:s3], [sflag:s2] =	dma.local @!p0 [hbm:s0], s1  }
0x83: {  	s0 =	simm.s32 @!p0 $0x5  }
0x84: {  	_ =	swait.ge @!p0 [sflag:s0], s1  }
0x85: {  	s1 =	ssub.s32 @!p0 $0x0, s1;
	[sflag:s0] =	ssyncset.done @!p0 $0x0  }
0x86: {  	[sflag:s0] =	ssyncadd.s32 @!p0 s1  }
0x87: {  	[bflag:$0x3] =	sbarrier.arrive $0xFFFF  }
0x88: {  	_ =	shalt  }

</sc_bundles>
